<compile_context>
chip_gen: v7x
topology: tpu7x:2x2x1
jax: 0.10.2.dev20260603
libtpu: 0.0.44.dev20260713+nightly
codegen_flags: <defaults>
</compile_context>

<pallas_src>
import functools

import jax
import jax.numpy as jnp
from jax import lax
from jax.experimental import pallas as pl
from jax.experimental.pallas import tpu as pltpu
from jax.experimental.pallas import tpu_sc as plsc

DIM = 1024
W = 16
NBUF = 4


def kernel(input_ids, embedding_table):
    batch, seq = input_ids.shape
    n = batch * seq
    idx = input_ids.reshape(n).astype(jnp.int32)

    NC, NS = 2, 16
    NW = NC * NS
    b_per_w = n // NW
    n_chunks = b_per_w // W

    mesh = plsc.VectorSubcoreMesh(core_axis_name="c", subcore_axis_name="s")

    @functools.partial(
        pl.kernel,
        out_type=jax.ShapeDtypeStruct((n, DIM), embedding_table.dtype),
        mesh=mesh,
        scratch_types=[
            pltpu.VMEM((b_per_w,), jnp.int32),
            pltpu.VMEM((NBUF, W, DIM), jnp.float32),
            pltpu.SemaphoreType.DMA((NBUF,)),
            pltpu.SemaphoreType.DMA((NBUF,)),
        ],
    )
    def gather_kernel(table_hbm, idx_hbm, out_hbm, idx_v, rows_v, gsem, wsem):
        wid = lax.axis_index("s") * NC + lax.axis_index("c")
        base = wid * b_per_w
        pltpu.sync_copy(idx_hbm.at[pl.ds(base, b_per_w)], idx_v)

        def g_copy(c, b):
            return pltpu.make_async_copy(
                table_hbm.at[idx_v.at[pl.ds(c * W, W)]],
                rows_v.at[b], gsem.at[b])

        def w_copy(c, b):
            return pltpu.make_async_copy(
                rows_v.at[b], out_hbm.at[pl.ds(base + c * W, W)], wsem.at[b])

        g_copy(0, 0).start()

        @pl.loop(0, n_chunks, step=NBUF)
        def _(c0):
            for j in range(NBUF):
                c = c0 + j
                g_copy(c, j).wait()
                w_copy(c, j).start()
                nb = (j + 1) % NBUF

                @pl.when(c + 1 >= NBUF)
                def _():
                    w_copy(c + 1 - NBUF, nb).wait()

                @pl.when(c + 1 < n_chunks)
                def _():
                    g_copy(c + 1, nb).start()

        for c in range(n_chunks - NBUF + 1, n_chunks):
            w_copy(c, c % NBUF).wait()

    out = gather_kernel(embedding_table, idx)
    return out.reshape(batch, seq, DIM)

# --- scband reference (transcript-rebuilt; emitter-appended) ---
"""Pipeline reference for scband-embed-tokens-wrapper-1709396983902 (READ-ONLY COPY).

The authoritative reference and input builder live on the scoring server;
editing this copy changes nothing except your own understanding.
"""

import jax, jax.numpy as jnp
import numpy as np

VOCAB = 100000
DIM = 1024
BATCH = 4
SEQ = 8192

def setup_inputs(seed: int = 0) -> dict:
    key = jax.random.key(seed)
    k_ids, k_tab = jax.random.split(key)
    input_ids = jax.random.randint(k_ids, (BATCH, SEQ), 0, VOCAB, dtype=jnp.int64 if jax.config.jax_enable_x64 else jnp.int32)
    embedding_table = jax.random.normal(k_tab, (VOCAB, DIM), dtype=jnp.float32) * 0.02
    return {"input_ids": input_ids, "embedding_table": embedding_table}

def reference(input_ids, embedding_table):
    # nn.Embedding forward: gather rows of the table by token id
    return jnp.take(embedding_table, input_ids, axis=0)

if __name__ == "__main__":
    import jax
    _d = setup_inputs()
    print(jax.jit(kernel)(*tuple(_d.values())))

</pallas_src>

<mosaic_0001>
#map = affine_map<(d0, d1) -> (0, 0)>
#map1 = affine_map<(d0, d1) -> (0)>
module attributes {stable_mosaic.version = 14 : i64} {
  func.func @gather_kernel(%arg0: i32, %arg1: i32, %arg2: memref<100000x1024xf32, #tpu.memory_space<hbm>>, %arg3: memref<32768xi32, #tpu.memory_space<hbm>>, %arg4: memref<32768x1024xf32, #tpu.memory_space<hbm>>, %arg5: memref<1024xi32, #tpu.memory_space<vmem>>, %arg6: memref<4x16x1024xf32, #tpu.memory_space<vmem>>, %arg7: memref<4x!tpu.dma_semaphore, #tpu.memory_space<semaphore_mem>>, %arg8: memref<4x!tpu.dma_semaphore, #tpu.memory_space<semaphore_mem>>) attributes {dimension_semantics = [#tpu.dimension_semantics<core_parallel>, #tpu.dimension_semantics<subcore_parallel>], iteration_bounds = array<i64: 2, 16>, scalar_prefetch = 0 : i64, scratch_operands = 4 : i64, tpu.core_type = #tpu.core_type<sc_vector_subcore>, window_params = [{transform_indices = #map}, {transform_indices = #map1}, {transform_indices = #map}]} {
    %mul3A = arith.constant 2 : i32
    %mul3A_0 = arith.muli %arg1, %mul3A : i32
    %add3A = arith.addi %mul3A_0, %arg0 : i32
    %mul3A_1 = arith.constant 1024 : i32
    %mul3A_2 = arith.muli %add3A, %mul3A_1 : i32
    "tpu.region"() ({
      %run_scoped3A = tpu.sem_alloc : memref<!tpu.dma_semaphore, #tpu.memory_space<semaphore_mem>>
      %dma_start3A_72 = tpu.memref_slice %arg3[%mul3A_2] : memref<32768xi32, #tpu.memory_space<hbm>> -> memref<1024xi32, #tpu.memory_space<hbm>>
      %dma_start3A_73 = tpu.memref_slice %arg3[%mul3A_2] : memref<32768xi32, #tpu.memory_space<hbm>> -> memref<1024xi32, #tpu.memory_space<hbm>>
      tpu.enqueue_dma source(%dma_start3A_73 : memref<1024xi32, #tpu.memory_space<hbm>>) target(%arg5 : memref<1024xi32, #tpu.memory_space<vmem>>) target_semaphore(%run_scoped3A : memref<!tpu.dma_semaphore, #tpu.memory_space<semaphore_mem>>)
      %dma_wait3A_74 = tpu.memref_slice %arg3[%mul3A_2] : memref<32768xi32, #tpu.memory_space<hbm>> -> memref<1024xi32, #tpu.memory_space<hbm>>
      %dma_wait3A_75 = tpu.memref_slice %arg3[%mul3A_2] : memref<32768xi32, #tpu.memory_space<hbm>> -> memref<1024xi32, #tpu.memory_space<hbm>>
      tpu.wait_dma2 semaphore(%run_scoped3A : memref<!tpu.dma_semaphore, #tpu.memory_space<semaphore_mem>>) src(%dma_wait3A_75 : memref<1024xi32, #tpu.memory_space<hbm>>) dst(%arg5 : memref<1024xi32, #tpu.memory_space<vmem>>)
      tpu.yield
    }) : () -> ()
    %dma_start3A = arith.constant 0 : i32
    %dma_start3A_3 = arith.constant 0 : i32
    %dma_start3A_4 = arith.constant 0 : i32
    %dma_start3A_5 = arith.constant 0 : i32
    %dma_start3A_6 = tpu.memref_slice %arg6[%dma_start3A, %dma_start3A_4, %dma_start3A_5] : memref<4x16x1024xf32, #tpu.memory_space<vmem>> -> memref<1x16x1024xf32, #tpu.memory_space<vmem>>
    %dma_start3A_7 = tpu.memref_squeeze %dma_start3A_6 : memref<1x16x1024xf32, #tpu.memory_space<vmem>> -> memref<16x1024xf32, #tpu.memory_space<vmem>>
    %dma_start3A_8 = arith.constant 0 : i32
    %dma_start3A_9 = tpu.memref_slice %arg5[%dma_start3A_8] : memref<1024xi32, #tpu.memory_space<vmem>> -> memref<16xi32, #tpu.memory_space<vmem>>
    %dma_start3A_10 = arith.constant 0 : i32
    %dma_start3A_11 = arith.constant 0 : i32
    %dma_start3A_12 = tpu.memref_slice %arg2[%dma_start3A_10, %dma_start3A_11] : memref<100000x1024xf32, #tpu.memory_space<hbm>> -> memref<100000x1024xf32, #tpu.memory_space<hbm>>
    %dma_start3A_13 = tpu.memref_slice %arg7[%dma_start3A_3] : memref<4x!tpu.dma_semaphore, #tpu.memory_space<semaphore_mem>> -> memref<1x!tpu.dma_semaphore, #tpu.memory_space<semaphore_mem>>
    %dma_start3A_14 = tpu.memref_squeeze %dma_start3A_13 : memref<1x!tpu.dma_semaphore, #tpu.memory_space<semaphore_mem>> -> memref<!tpu.dma_semaphore, #tpu.memory_space<semaphore_mem>>
    tpu.enqueue_indirect_dma source(%dma_start3A_12 : memref<100000x1024xf32, #tpu.memory_space<hbm>>) target(%dma_start3A_7 : memref<16x1024xf32, #tpu.memory_space<vmem>>) offsets(%dma_start3A_9 : memref<16xi32, #tpu.memory_space<vmem>>) semaphore(%dma_start3A_14 : memref<!tpu.dma_semaphore, #tpu.memory_space<semaphore_mem>>)
    %scan3A = arith.constant 0 : i32
    %scan3A_15 = arith.constant 16 : i32
    %scan3A_16 = arith.addi %scan3A, %scan3A_15 : i32
    %scan3A_17 = arith.constant 1 : i32
    scf.for %scan3A_72 = %scan3A to %scan3A_16 step %scan3A_17  : i32 {
      %mul3A_73 = arith.constant 4 : i32
      %mul3A_74 = arith.muli %scan3A_72, %mul3A_73 : i32
      %add3A_75 = arith.constant 0 : i32
      %add3A_76 = arith.addi %add3A_75, %mul3A_74 : i32
      %add3A_77 = arith.constant 0 : i32
      %add3A_78 = arith.addi %add3A_76, %add3A_77 : i32
      %mul3A_79 = arith.constant 16 : i32
      %mul3A_80 = arith.muli %add3A_78, %mul3A_79 : i32
      %dma_wait3A_81 = arith.constant 0 : i32
      %dma_wait3A_82 = arith.constant 0 : i32
      %dma_wait3A_83 = arith.constant 0 : i32
      %dma_wait3A_84 = arith.constant 0 : i32
      %dma_wait3A_85 = tpu.memref_slice %arg6[%dma_wait3A_81, %dma_wait3A_83, %dma_wait3A_84] : memref<4x16x1024xf32, #tpu.memory_space<vmem>> -> memref<1x16x1024xf32, #tpu.memory_space<vmem>>
      %dma_wait3A_86 = tpu.memref_squeeze %dma_wait3A_85 : memref<1x16x1024xf32, #tpu.memory_space<vmem>> -> memref<16x1024xf32, #tpu.memory_space<vmem>>
      %dma_wait3A_87 = tpu.memref_slice %arg5[%mul3A_80] : memref<1024xi32, #tpu.memory_space<vmem>> -> memref<16xi32, #tpu.memory_space<vmem>>
      %dma_wait3A_88 = arith.constant 0 : i32
      %dma_wait3A_89 = arith.constant 0 : i32
      %dma_wait3A_90 = tpu.memref_slice %arg2[%dma_wait3A_88, %dma_wait3A_89] : memref<100000x1024xf32, #tpu.memory_space<hbm>> -> memref<100000x1024xf32, #tpu.memory_space<hbm>>
      %dma_wait3A_91 = tpu.memref_slice %arg7[%dma_wait3A_82] : memref<4x!tpu.dma_semaphore, #tpu.memory_space<semaphore_mem>> -> memref<1x!tpu.dma_semaphore, #tpu.memory_space<semaphore_mem>>
      %dma_wait3A_92 = tpu.memref_squeeze %dma_wait3A_91 : memref<1x!tpu.dma_semaphore, #tpu.memory_space<semaphore_mem>> -> memref<!tpu.dma_semaphore, #tpu.memory_space<semaphore_mem>>
      tpu.wait_indirect_dma semaphore(%dma_wait3A_92 : memref<!tpu.dma_semaphore, #tpu.memory_space<semaphore_mem>>) src(%dma_wait3A_90 : memref<100000x1024xf32, #tpu.memory_space<hbm>>) dst(%dma_wait3A_86 : memref<16x1024xf32, #tpu.memory_space<vmem>>)
      %mul3A_93 = arith.constant 16 : i32
      %mul3A_94 = arith.muli %add3A_78, %mul3A_93 : i32
      %add3A_95 = arith.addi %mul3A_2, %mul3A_94 : i32
      %dma_start3A_96 = arith.constant 0 : i32
      %dma_start3A_97 = arith.constant 0 : i32
      %dma_start3A_98 = arith.constant 0 : i32
      %dma_start3A_99 = arith.constant 0 : i32
      %dma_start3A_100 = tpu.memref_slice %arg6[%dma_start3A_96, %dma_start3A_98, %dma_start3A_99] : memref<4x16x1024xf32, #tpu.memory_space<vmem>> -> memref<1x16x1024xf32, #tpu.memory_space<vmem>>
      %dma_start3A_101 = tpu.memref_squeeze %dma_start3A_100 : memref<1x16x1024xf32, #tpu.memory_space<vmem>> -> memref<16x1024xf32, #tpu.memory_space<vmem>>
      %dma_start3A_102 = arith.constant 0 : i32
      %dma_start3A_103 = tpu.memref_slice %arg4[%add3A_95, %dma_start3A_102] : memref<32768x1024xf32, #tpu.memory_space<hbm>> -> memref<16x1024xf32, #tpu.memory_space<hbm>>
      %dma_start3A_104 = tpu.memref_slice %arg8[%dma_start3A_97] : memref<4x!tpu.dma_semaphore, #tpu.memory_space<semaphore_mem>> -> memref<1x!tpu.dma_semaphore, #tpu.memory_space<semaphore_mem>>
      %dma_start3A_105 = tpu.memref_squeeze %dma_start3A_104 : memref<1x!tpu.dma_semaphore, #tpu.memory_space<semaphore_mem>> -> memref<!tpu.dma_semaphore, #tpu.memory_space<semaphore_mem>>
      %dma_start3A_106 = arith.constant 0 : i32
      %dma_start3A_107 = tpu.memref_slice %arg4[%add3A_95, %dma_start3A_106] : memref<32768x1024xf32, #tpu.memory_space<hbm>> -> memref<16x1024xf32, #tpu.memory_space<hbm>>
      %dma_start3A_108 = arith.constant 0 : i32
      %dma_start3A_109 = arith.constant 0 : i32
      %dma_start3A_110 = tpu.memref_slice %arg6[%dma_start3A_96, %dma_start3A_108, %dma_start3A_109] : memref<4x16x1024xf32, #tpu.memory_space<vmem>> -> memref<1x16x1024xf32, #tpu.memory_space<vmem>>
      %dma_start3A_111 = tpu.memref_squeeze %dma_start3A_110 : memref<1x16x1024xf32, #tpu.memory_space<vmem>> -> memref<16x1024xf32, #tpu.memory_space<vmem>>
      tpu.enqueue_dma source(%dma_start3A_111 : memref<16x1024xf32, #tpu.memory_space<vmem>>) target(%dma_start3A_107 : memref<16x1024xf32, #tpu.memory_space<hbm>>) target_semaphore(%dma_start3A_105 : memref<!tpu.dma_semaphore, #tpu.memory_space<semaphore_mem>>)
      %add3A_112 = arith.constant 1 : i32
      %add3A_113 = arith.addi %add3A_78, %add3A_112 : i32
      %ge3A = arith.constant 4 : i32
      %ge3A_114 = arith.cmpi sge, %add3A_113, %ge3A : i32
      %convert_element_type3A = arith.extui %ge3A_114 : i1 to i32
      %cond3A = arith.constant 0 : i32
      %cond3A_115 = arith.cmpi ne, %convert_element_type3A, %cond3A : i32
      scf.if %cond3A_115 {
        %add3A_269 = arith.constant 1 : i32
        %add3A_270 = arith.addi %add3A_78, %add3A_269 : i32
        %sub3A = arith.constant 4 : i32
        %sub3A_271 = arith.subi %add3A_270, %sub3A : i32
        %mul3A_272 = arith.constant 16 : i32
        %mul3A_273 = arith.muli %sub3A_271, %mul3A_272 : i32
        %add3A_274 = arith.addi %mul3A_2, %mul3A_273 : i32
        %dma_wait3A_275 = arith.constant 1 : i32
        %dma_wait3A_276 = arith.constant 1 : i32
        %dma_wait3A_277 = arith.constant 0 : i32
        %dma_wait3A_278 = arith.constant 0 : i32
        %dma_wait3A_279 = tpu.memref_slice %arg6[%dma_wait3A_275, %dma_wait3A_277, %dma_wait3A_278] : memref<4x16x1024xf32, #tpu.memory_space<vmem>> -> memref<1x16x1024xf32, #tpu.memory_space<vmem>>
        %dma_wait3A_280 = tpu.memref_squeeze %dma_wait3A_279 : memref<1x16x1024xf32, #tpu.memory_space<vmem>> -> memref<16x1024xf32, #tpu.memory_space<vmem>>
        %dma_wait3A_281 = arith.constant 0 : i32
        %dma_wait3A_282 = tpu.memref_slice %arg4[%add3A_274, %dma_wait3A_281] : memref<32768x1024xf32, #tpu.memory_space<hbm>> -> memref<16x1024xf32, #tpu.memory_space<hbm>>
        %dma_wait3A_283 = tpu.memref_slice %arg8[%dma_wait3A_276] : memref<4x!tpu.dma_semaphore, #tpu.memory_space<semaphore_mem>> -> memref<1x!tpu.dma_semaphore, #tpu.memory_space<semaphore_mem>>
        %dma_wait3A_284 = tpu.memref_squeeze %dma_wait3A_283 : memref<1x!tpu.dma_semaphore, #tpu.memory_space<semaphore_mem>> -> memref<!tpu.dma_semaphore, #tpu.memory_space<semaphore_mem>>
        %dma_wait3A_285 = arith.constant 0 : i32
        %dma_wait3A_286 = tpu.memref_slice %arg4[%add3A_274, %dma_wait3A_285] : memref<32768x1024xf32, #tpu.memory_space<hbm>> -> memref<16x1024xf32, #tpu.memory_space<hbm>>
        %dma_wait3A_287 = arith.constant 0 : i32
        %dma_wait3A_288 = arith.constant 0 : i32
        %dma_wait3A_289 = tpu.memref_slice %arg6[%dma_wait3A_275, %dma_wait3A_287, %dma_wait3A_288] : memref<4x16x1024xf32, #tpu.memory_space<vmem>> -> memref<1x16x1024xf32, #tpu.memory_space<vmem>>
        %dma_wait3A_290 = tpu.memref_squeeze %dma_wait3A_289 : memref<1x16x1024xf32, #tpu.memory_space<vmem>> -> memref<16x1024xf32, #tpu.memory_space<vmem>>
        tpu.wait_dma2 semaphore(%dma_wait3A_284 : memref<!tpu.dma_semaphore, #tpu.memory_space<semaphore_mem>>) src(%dma_wait3A_290 : memref<16x1024xf32, #tpu.memory_space<vmem>>) dst(%dma_wait3A_286 : memref<16x1024xf32, #tpu.memory_space<hbm>>)
      } else {
      }
      %add3A_116 = arith.constant 1 : i32
      %add3A_117 = arith.addi %add3A_78, %add3A_116 : i32
      %lt3A = arith.constant 64 : i32
      %lt3A_118 = arith.cmpi slt, %add3A_117, %lt3A : i32
      %convert_element_type3A_119 = arith.extui %lt3A_118 : i1 to i32
      %cond3A_120 = arith.constant 0 : i32
      %cond3A_121 = arith.cmpi ne, %convert_element_type3A_119, %cond3A_120 : i32
      scf.if %cond3A_121 {
        %add3A_269 = arith.constant 1 : i32
        %add3A_270 = arith.addi %add3A_78, %add3A_269 : i32
        %mul3A_271 = arith.constant 16 : i32
        %mul3A_272 = arith.muli %add3A_270, %mul3A_271 : i32
        %dma_start3A_273 = arith.constant 1 : i32
        %dma_start3A_274 = arith.constant 1 : i32
        %dma_start3A_275 = arith.constant 0 : i32
        %dma_start3A_276 = arith.constant 0 : i32
        %dma_start3A_277 = tpu.memref_slice %arg6[%dma_start3A_273, %dma_start3A_275, %dma_start3A_276] : memref<4x16x1024xf32, #tpu.memory_space<vmem>> -> memref<1x16x1024xf32, #tpu.memory_space<vmem>>
        %dma_start3A_278 = tpu.memref_squeeze %dma_start3A_277 : memref<1x16x1024xf32, #tpu.memory_space<vmem>> -> memref<16x1024xf32, #tpu.memory_space<vmem>>
        %dma_start3A_279 = tpu.memref_slice %arg5[%mul3A_272] : memref<1024xi32, #tpu.memory_space<vmem>> -> memref<16xi32, #tpu.memory_space<vmem>>
        %dma_start3A_280 = arith.constant 0 : i32
        %dma_start3A_281 = arith.constant 0 : i32
        %dma_start3A_282 = tpu.memref_slice %arg2[%dma_start3A_280, %dma_start3A_281] : memref<100000x1024xf32, #tpu.memory_space<hbm>> -> memref<100000x1024xf32, #tpu.memory_space<hbm>>
        %dma_start3A_283 = tpu.memref_slice %arg7[%dma_start3A_274] : memref<4x!tpu.dma_semaphore, #tpu.memory_space<semaphore_mem>> -> memref<1x!tpu.dma_semaphore, #tpu.memory_space<semaphore_mem>>
        %dma_start3A_284 = tpu.memref_squeeze %dma_start3A_283 : memref<1x!tpu.dma_semaphore, #tpu.memory_space<semaphore_mem>> -> memref<!tpu.dma_semaphore, #tpu.memory_space<semaphore_mem>>
        tpu.enqueue_indirect_dma source(%dma_start3A_282 : memref<100000x1024xf32, #tpu.memory_space<hbm>>) target(%dma_start3A_278 : memref<16x1024xf32, #tpu.memory_space<vmem>>) offsets(%dma_start3A_279 : memref<16xi32, #tpu.memory_space<vmem>>) semaphore(%dma_start3A_284 : memref<!tpu.dma_semaphore, #tpu.memory_space<semaphore_mem>>)
      } else {
      }
      %add3A_122 = arith.constant 1 : i32
      %add3A_123 = arith.addi %add3A_76, %add3A_122 : i32
      %mul3A_124 = arith.constant 16 : i32
      %mul3A_125 = arith.muli %add3A_123, %mul3A_124 : i32
      %dma_wait3A_126 = arith.constant 1 : i32
      %dma_wait3A_127 = arith.constant 1 : i32
      %dma_wait3A_128 = arith.constant 0 : i32
      %dma_wait3A_129 = arith.constant 0 : i32
      %dma_wait3A_130 = tpu.memref_slice %arg6[%dma_wait3A_126, %dma_wait3A_128, %dma_wait3A_129] : memref<4x16x1024xf32, #tpu.memory_space<vmem>> -> memref<1x16x1024xf32, #tpu.memory_space<vmem>>
      %dma_wait3A_131 = tpu.memref_squeeze %dma_wait3A_130 : memref<1x16x1024xf32, #tpu.memory_space<vmem>> -> memref<16x1024xf32, #tpu.memory_space<vmem>>
      %dma_wait3A_132 = tpu.memref_slice %arg5[%mul3A_125] : memref<1024xi32, #tpu.memory_space<vmem>> -> memref<16xi32, #tpu.memory_space<vmem>>
      %dma_wait3A_133 = arith.constant 0 : i32
      %dma_wait3A_134 = arith.constant 0 : i32
      %dma_wait3A_135 = tpu.memref_slice %arg2[%dma_wait3A_133, %dma_wait3A_134] : memref<100000x1024xf32, #tpu.memory_space<hbm>> -> memref<100000x1024xf32, #tpu.memory_space<hbm>>
      %dma_wait3A_136 = tpu.memref_slice %arg7[%dma_wait3A_127] : memref<4x!tpu.dma_semaphore, #tpu.memory_space<semaphore_mem>> -> memref<1x!tpu.dma_semaphore, #tpu.memory_space<semaphore_mem>>
      %dma_wait3A_137 = tpu.memref_squeeze %dma_wait3A_136 : memref<1x!tpu.dma_semaphore, #tpu.memory_space<semaphore_mem>> -> memref<!tpu.dma_semaphore, #tpu.memory_space<semaphore_mem>>
      tpu.wait_indirect_dma semaphore(%dma_wait3A_137 : memref<!tpu.dma_semaphore, #tpu.memory_space<semaphore_mem>>) src(%dma_wait3A_135 : memref<100000x1024xf32, #tpu.memory_space<hbm>>) dst(%dma_wait3A_131 : memref<16x1024xf32, #tpu.memory_space<vmem>>)
      %mul3A_138 = arith.constant 16 : i32
      %mul3A_139 = arith.muli %add3A_123, %mul3A_138 : i32
      %add3A_140 = arith.addi %mul3A_2, %mul3A_139 : i32
      %dma_start3A_141 = arith.constant 1 : i32
      %dma_start3A_142 = arith.constant 1 : i32
      %dma_start3A_143 = arith.constant 0 : i32
      %dma_start3A_144 = arith.constant 0 : i32
      %dma_start3A_145 = tpu.memref_slice %arg6[%dma_start3A_141, %dma_start3A_143, %dma_start3A_144] : memref<4x16x1024xf32, #tpu.memory_space<vmem>> -> memref<1x16x1024xf32, #tpu.memory_space<vmem>>
      %dma_start3A_146 = tpu.memref_squeeze %dma_start3A_145 : memref<1x16x1024xf32, #tpu.memory_space<vmem>> -> memref<16x1024xf32, #tpu.memory_space<vmem>>
      %dma_start3A_147 = arith.constant 0 : i32
      %dma_start3A_148 = tpu.memref_slice %arg4[%add3A_140, %dma_start3A_147] : memref<32768x1024xf32, #tpu.memory_space<hbm>> -> memref<16x1024xf32, #tpu.memory_space<hbm>>
      %dma_start3A_149 = tpu.memref_slice %arg8[%dma_start3A_142] : memref<4x!tpu.dma_semaphore, #tpu.memory_space<semaphore_mem>> -> memref<1x!tpu.dma_semaphore, #tpu.memory_space<semaphore_mem>>
      %dma_start3A_150 = tpu.memref_squeeze %dma_start3A_149 : memref<1x!tpu.dma_semaphore, #tpu.memory_space<semaphore_mem>> -> memref<!tpu.dma_semaphore, #tpu.memory_space<semaphore_mem>>
      %dma_start3A_151 = arith.constant 0 : i32
      %dma_start3A_152 = tpu.memref_slice %arg4[%add3A_140, %dma_start3A_151] : memref<32768x1024xf32, #tpu.memory_space<hbm>> -> memref<16x1024xf32, #tpu.memory_space<hbm>>
      %dma_start3A_153 = arith.constant 0 : i32
      %dma_start3A_154 = arith.constant 0 : i32
      %dma_start3A_155 = tpu.memref_slice %arg6[%dma_start3A_141, %dma_start3A_153, %dma_start3A_154] : memref<4x16x1024xf32, #tpu.memory_space<vmem>> -> memref<1x16x1024xf32, #tpu.memory_space<vmem>>
      %dma_start3A_156 = tpu.memref_squeeze %dma_start3A_155 : memref<1x16x1024xf32, #tpu.memory_space<vmem>> -> memref<16x1024xf32, #tpu.memory_space<vmem>>
      tpu.enqueue_dma source(%dma_start3A_156 : memref<16x1024xf32, #tpu.memory_space<vmem>>) target(%dma_start3A_152 : memref<16x1024xf32, #tpu.memory_space<hbm>>) target_semaphore(%dma_start3A_150 : memref<!tpu.dma_semaphore, #tpu.memory_space<semaphore_mem>>)
      %add3A_157 = arith.constant 1 : i32
      %add3A_158 = arith.addi %add3A_123, %add3A_157 : i32
      %ge3A_159 = arith.constant 4 : i32
      %ge3A_160 = arith.cmpi sge, %add3A_158, %ge3A_159 : i32
      %convert_element_type3A_161 = arith.extui %ge3A_160 : i1 to i32
      %cond3A_162 = arith.constant 0 : i32
      %cond3A_163 = arith.cmpi ne, %convert_element_type3A_161, %cond3A_162 : i32
      scf.if %cond3A_163 {
        %add3A_269 = arith.constant 1 : i32
        %add3A_270 = arith.addi %add3A_123, %add3A_269 : i32
        %sub3A = arith.constant 4 : i32
        %sub3A_271 = arith.subi %add3A_270, %sub3A : i32
        %mul3A_272 = arith.constant 16 : i32
        %mul3A_273 = arith.muli %sub3A_271, %mul3A_272 : i32
        %add3A_274 = arith.addi %mul3A_2, %mul3A_273 : i32
        %dma_wait3A_275 = arith.constant 2 : i32
        %dma_wait3A_276 = arith.constant 2 : i32
        %dma_wait3A_277 = arith.constant 0 : i32
        %dma_wait3A_278 = arith.constant 0 : i32
        %dma_wait3A_279 = tpu.memref_slice %arg6[%dma_wait3A_275, %dma_wait3A_277, %dma_wait3A_278] : memref<4x16x1024xf32, #tpu.memory_space<vmem>> -> memref<1x16x1024xf32, #tpu.memory_space<vmem>>
        %dma_wait3A_280 = tpu.memref_squeeze %dma_wait3A_279 : memref<1x16x1024xf32, #tpu.memory_space<vmem>> -> memref<16x1024xf32, #tpu.memory_space<vmem>>
        %dma_wait3A_281 = arith.constant 0 : i32
        %dma_wait3A_282 = tpu.memref_slice %arg4[%add3A_274, %dma_wait3A_281] : memref<32768x1024xf32, #tpu.memory_space<hbm>> -> memref<16x1024xf32, #tpu.memory_space<hbm>>
        %dma_wait3A_283 = tpu.memref_slice %arg8[%dma_wait3A_276] : memref<4x!tpu.dma_semaphore, #tpu.memory_space<semaphore_mem>> -> memref<1x!tpu.dma_semaphore, #tpu.memory_space<semaphore_mem>>
        %dma_wait3A_284 = tpu.memref_squeeze %dma_wait3A_283 : memref<1x!tpu.dma_semaphore, #tpu.memory_space<semaphore_mem>> -> memref<!tpu.dma_semaphore, #tpu.memory_space<semaphore_mem>>
        %dma_wait3A_285 = arith.constant 0 : i32
        %dma_wait3A_286 = tpu.memref_slice %arg4[%add3A_274, %dma_wait3A_285] : memref<32768x1024xf32, #tpu.memory_space<hbm>> -> memref<16x1024xf32, #tpu.memory_space<hbm>>
        %dma_wait3A_287 = arith.constant 0 : i32
        %dma_wait3A_288 = arith.constant 0 : i32
        %dma_wait3A_289 = tpu.memref_slice %arg6[%dma_wait3A_275, %dma_wait3A_287, %dma_wait3A_288] : memref<4x16x1024xf32, #tpu.memory_space<vmem>> -> memref<1x16x1024xf32, #tpu.memory_space<vmem>>
        %dma_wait3A_290 = tpu.memref_squeeze %dma_wait3A_289 : memref<1x16x1024xf32, #tpu.memory_space<vmem>> -> memref<16x1024xf32, #tpu.memory_space<vmem>>
        tpu.wait_dma2 semaphore(%dma_wait3A_284 : memref<!tpu.dma_semaphore, #tpu.memory_space<semaphore_mem>>) src(%dma_wait3A_290 : memref<16x1024xf32, #tpu.memory_space<vmem>>) dst(%dma_wait3A_286 : memref<16x1024xf32, #tpu.memory_space<hbm>>)
      } else {
      }
      %add3A_164 = arith.constant 1 : i32
      %add3A_165 = arith.addi %add3A_123, %add3A_164 : i32
      %lt3A_166 = arith.constant 64 : i32
      %lt3A_167 = arith.cmpi slt, %add3A_165, %lt3A_166 : i32
      %convert_element_type3A_168 = arith.extui %lt3A_167 : i1 to i32
      %cond3A_169 = arith.constant 0 : i32
      %cond3A_170 = arith.cmpi ne, %convert_element_type3A_168, %cond3A_169 : i32
      scf.if %cond3A_170 {
        %add3A_269 = arith.constant 1 : i32
        %add3A_270 = arith.addi %add3A_123, %add3A_269 : i32
        %mul3A_271 = arith.constant 16 : i32
        %mul3A_272 = arith.muli %add3A_270, %mul3A_271 : i32
        %dma_start3A_273 = arith.constant 2 : i32
        %dma_start3A_274 = arith.constant 2 : i32
        %dma_start3A_275 = arith.constant 0 : i32
        %dma_start3A_276 = arith.constant 0 : i32
        %dma_start3A_277 = tpu.memref_slice %arg6[%dma_start3A_273, %dma_start3A_275, %dma_start3A_276] : memref<4x16x1024xf32, #tpu.memory_space<vmem>> -> memref<1x16x1024xf32, #tpu.memory_space<vmem>>
        %dma_start3A_278 = tpu.memref_squeeze %dma_start3A_277 : memref<1x16x1024xf32, #tpu.memory_space<vmem>> -> memref<16x1024xf32, #tpu.memory_space<vmem>>
        %dma_start3A_279 = tpu.memref_slice %arg5[%mul3A_272] : memref<1024xi32, #tpu.memory_space<vmem>> -> memref<16xi32, #tpu.memory_space<vmem>>
        %dma_start3A_280 = arith.constant 0 : i32
        %dma_start3A_281 = arith.constant 0 : i32
        %dma_start3A_282 = tpu.memref_slice %arg2[%dma_start3A_280, %dma_start3A_281] : memref<100000x1024xf32, #tpu.memory_space<hbm>> -> memref<100000x1024xf32, #tpu.memory_space<hbm>>
        %dma_start3A_283 = tpu.memref_slice %arg7[%dma_start3A_274] : memref<4x!tpu.dma_semaphore, #tpu.memory_space<semaphore_mem>> -> memref<1x!tpu.dma_semaphore, #tpu.memory_space<semaphore_mem>>
        %dma_start3A_284 = tpu.memref_squeeze %dma_start3A_283 : memref<1x!tpu.dma_semaphore, #tpu.memory_space<semaphore_mem>> -> memref<!tpu.dma_semaphore, #tpu.memory_space<semaphore_mem>>
        tpu.enqueue_indirect_dma source(%dma_start3A_282 : memref<100000x1024xf32, #tpu.memory_space<hbm>>) target(%dma_start3A_278 : memref<16x1024xf32, #tpu.memory_space<vmem>>) offsets(%dma_start3A_279 : memref<16xi32, #tpu.memory_space<vmem>>) semaphore(%dma_start3A_284 : memref<!tpu.dma_semaphore, #tpu.memory_space<semaphore_mem>>)
      } else {
      }
      %add3A_171 = arith.constant 2 : i32
      %add3A_172 = arith.addi %add3A_76, %add3A_171 : i32
      %mul3A_173 = arith.constant 16 : i32
      %mul3A_174 = arith.muli %add3A_172, %mul3A_173 : i32
      %dma_wait3A_175 = arith.constant 2 : i32
      %dma_wait3A_176 = arith.constant 2 : i32
      %dma_wait3A_177 = arith.constant 0 : i32
      %dma_wait3A_178 = arith.constant 0 : i32
      %dma_wait3A_179 = tpu.memref_slice %arg6[%dma_wait3A_175, %dma_wait3A_177, %dma_wait3A_178] : memref<4x16x1024xf32, #tpu.memory_space<vmem>> -> memref<1x16x1024xf32, #tpu.memory_space<vmem>>
      %dma_wait3A_180 = tpu.memref_squeeze %dma_wait3A_179 : memref<1x16x1024xf32, #tpu.memory_space<vmem>> -> memref<16x1024xf32, #tpu.memory_space<vmem>>
      %dma_wait3A_181 = tpu.memref_slice %arg5[%mul3A_174] : memref<1024xi32, #tpu.memory_space<vmem>> -> memref<16xi32, #tpu.memory_space<vmem>>
      %dma_wait3A_182 = arith.constant 0 : i32
      %dma_wait3A_183 = arith.constant 0 : i32
      %dma_wait3A_184 = tpu.memref_slice %arg2[%dma_wait3A_182, %dma_wait3A_183] : memref<100000x1024xf32, #tpu.memory_space<hbm>> -> memref<100000x1024xf32, #tpu.memory_space<hbm>>
      %dma_wait3A_185 = tpu.memref_slice %arg7[%dma_wait3A_176] : memref<4x!tpu.dma_semaphore, #tpu.memory_space<semaphore_mem>> -> memref<1x!tpu.dma_semaphore, #tpu.memory_space<semaphore_mem>>
      %dma_wait3A_186 = tpu.memref_squeeze %dma_wait3A_185 : memref<1x!tpu.dma_semaphore, #tpu.memory_space<semaphore_mem>> -> memref<!tpu.dma_semaphore, #tpu.memory_space<semaphore_mem>>
      tpu.wait_indirect_dma semaphore(%dma_wait3A_186 : memref<!tpu.dma_semaphore, #tpu.memory_space<semaphore_mem>>) src(%dma_wait3A_184 : memref<100000x1024xf32, #tpu.memory_space<hbm>>) dst(%dma_wait3A_180 : memref<16x1024xf32, #tpu.memory_space<vmem>>)
      %mul3A_187 = arith.constant 16 : i32
      %mul3A_188 = arith.muli %add3A_172, %mul3A_187 : i32
      %add3A_189 = arith.addi %mul3A_2, %mul3A_188 : i32
      %dma_start3A_190 = arith.constant 2 : i32
      %dma_start3A_191 = arith.constant 2 : i32
      %dma_start3A_192 = arith.constant 0 : i32
      %dma_start3A_193 = arith.constant 0 : i32
      %dma_start3A_194 = tpu.memref_slice %arg6[%dma_start3A_190, %dma_start3A_192, %dma_start3A_193] : memref<4x16x1024xf32, #tpu.memory_space<vmem>> -> memref<1x16x1024xf32, #tpu.memory_space<vmem>>
      %dma_start3A_195 = tpu.memref_squeeze %dma_start3A_194 : memref<1x16x1024xf32, #tpu.memory_space<vmem>> -> memref<16x1024xf32, #tpu.memory_space<vmem>>
      %dma_start3A_196 = arith.constant 0 : i32
      %dma_start3A_197 = tpu.memref_slice %arg4[%add3A_189, %dma_start3A_196] : memref<32768x1024xf32, #tpu.memory_space<hbm>> -> memref<16x1024xf32, #tpu.memory_space<hbm>>
      %dma_start3A_198 = tpu.memref_slice %arg8[%dma_start3A_191] : memref<4x!tpu.dma_semaphore, #tpu.memory_space<semaphore_mem>> -> memref<1x!tpu.dma_semaphore, #tpu.memory_space<semaphore_mem>>
      %dma_start3A_199 = tpu.memref_squeeze %dma_start3A_198 : memref<1x!tpu.dma_semaphore, #tpu.memory_space<semaphore_mem>> -> memref<!tpu.dma_semaphore, #tpu.memory_space<semaphore_mem>>
      %dma_start3A_200 = arith.constant 0 : i32
      %dma_start3A_201 = tpu.memref_slice %arg4[%add3A_189, %dma_start3A_200] : memref<32768x1024xf32, #tpu.memory_space<hbm>> -> memref<16x1024xf32, #tpu.memory_space<hbm>>
      %dma_start3A_202 = arith.constant 0 : i32
      %dma_start3A_203 = arith.constant 0 : i32
      %dma_start3A_204 = tpu.memref_slice %arg6[%dma_start3A_190, %dma_start3A_202, %dma_start3A_203] : memref<4x16x1024xf32, #tpu.memory_space<vmem>> -> memref<1x16x1024xf32, #tpu.memory_space<vmem>>
      %dma_start3A_205 = tpu.memref_squeeze %dma_start3A_204 : memref<1x16x1024xf32, #tpu.memory_space<vmem>> -> memref<16x1024xf32, #tpu.memory_space<vmem>>
      tpu.enqueue_dma source(%dma_start3A_205 : memref<16x1024xf32, #tpu.memory_space<vmem>>) target(%dma_start3A_201 : memref<16x1024xf32, #tpu.memory_space<hbm>>) target_semaphore(%dma_start3A_199 : memref<!tpu.dma_semaphore, #tpu.memory_space<semaphore_mem>>)
      %add3A_206 = arith.constant 1 : i32
      %add3A_207 = arith.addi %add3A_172, %add3A_206 : i32
      %ge3A_208 = arith.constant 4 : i32
      %ge3A_209 = arith.cmpi sge, %add3A_207, %ge3A_208 : i32
      %convert_element_type3A_210 = arith.extui %ge3A_209 : i1 to i32
      %cond3A_211 = arith.constant 0 : i32
      %cond3A_212 = arith.cmpi ne, %convert_element_type3A_210, %cond3A_211 : i32
      scf.if %cond3A_212 {
        %add3A_269 = arith.constant 1 : i32
        %add3A_270 = arith.addi %add3A_172, %add3A_269 : i32
        %sub3A = arith.constant 4 : i32
        %sub3A_271 = arith.subi %add3A_270, %sub3A : i32
        %mul3A_272 = arith.constant 16 : i32
        %mul3A_273 = arith.muli %sub3A_271, %mul3A_272 : i32
        %add3A_274 = arith.addi %mul3A_2, %mul3A_273 : i32
        %dma_wait3A_275 = arith.constant 3 : i32
        %dma_wait3A_276 = arith.constant 3 : i32
        %dma_wait3A_277 = arith.constant 0 : i32
        %dma_wait3A_278 = arith.constant 0 : i32
        %dma_wait3A_279 = tpu.memref_slice %arg6[%dma_wait3A_275, %dma_wait3A_277, %dma_wait3A_278] : memref<4x16x1024xf32, #tpu.memory_space<vmem>> -> memref<1x16x1024xf32, #tpu.memory_space<vmem>>
        %dma_wait3A_280 = tpu.memref_squeeze %dma_wait3A_279 : memref<1x16x1024xf32, #tpu.memory_space<vmem>> -> memref<16x1024xf32, #tpu.memory_space<vmem>>
        %dma_wait3A_281 = arith.constant 0 : i32
        %dma_wait3A_282 = tpu.memref_slice %arg4[%add3A_274, %dma_wait3A_281] : memref<32768x1024xf32, #tpu.memory_space<hbm>> -> memref<16x1024xf32, #tpu.memory_space<hbm>>
        %dma_wait3A_283 = tpu.memref_slice %arg8[%dma_wait3A_276] : memref<4x!tpu.dma_semaphore, #tpu.memory_space<semaphore_mem>> -> memref<1x!tpu.dma_semaphore, #tpu.memory_space<semaphore_mem>>
        %dma_wait3A_284 = tpu.memref_squeeze %dma_wait3A_283 : memref<1x!tpu.dma_semaphore, #tpu.memory_space<semaphore_mem>> -> memref<!tpu.dma_semaphore, #tpu.memory_space<semaphore_mem>>
        %dma_wait3A_285 = arith.constant 0 : i32
        %dma_wait3A_286 = tpu.memref_slice %arg4[%add3A_274, %dma_wait3A_285] : memref<32768x1024xf32, #tpu.memory_space<hbm>> -> memref<16x1024xf32, #tpu.memory_space<hbm>>
        %dma_wait3A_287 = arith.constant 0 : i32
        %dma_wait3A_288 = arith.constant 0 : i32
        %dma_wait3A_289 = tpu.memref_slice %arg6[%dma_wait3A_275, %dma_wait3A_287, %dma_wait3A_288] : memref<4x16x1024xf32, #tpu.memory_space<vmem>> -> memref<1x16x1024xf32, #tpu.memory_space<vmem>>
        %dma_wait3A_290 = tpu.memref_squeeze %dma_wait3A_289 : memref<1x16x1024xf32, #tpu.memory_space<vmem>> -> memref<16x1024xf32, #tpu.memory_space<vmem>>
        tpu.wait_dma2 semaphore(%dma_wait3A_284 : memref<!tpu.dma_semaphore, #tpu.memory_space<semaphore_mem>>) src(%dma_wait3A_290 : memref<16x1024xf32, #tpu.memory_space<vmem>>) dst(%dma_wait3A_286 : memref<16x1024xf32, #tpu.memory_space<hbm>>)
      } else {
      }
      %add3A_213 = arith.constant 1 : i32
      %add3A_214 = arith.addi %add3A_172, %add3A_213 : i32
      %lt3A_215 = arith.constant 64 : i32
      %lt3A_216 = arith.cmpi slt, %add3A_214, %lt3A_215 : i32
      %convert_element_type3A_217 = arith.extui %lt3A_216 : i1 to i32
      %cond3A_218 = arith.constant 0 : i32
      %cond3A_219 = arith.cmpi ne, %convert_element_type3A_217, %cond3A_218 : i32
      scf.if %cond3A_219 {
        %add3A_269 = arith.constant 1 : i32
        %add3A_270 = arith.addi %add3A_172, %add3A_269 : i32
        %mul3A_271 = arith.constant 16 : i32
        %mul3A_272 = arith.muli %add3A_270, %mul3A_271 : i32
        %dma_start3A_273 = arith.constant 3 : i32
        %dma_start3A_274 = arith.constant 3 : i32
        %dma_start3A_275 = arith.constant 0 : i32
        %dma_start3A_276 = arith.constant 0 : i32
        %dma_start3A_277 = tpu.memref_slice %arg6[%dma_start3A_273, %dma_start3A_275, %dma_start3A_276] : memref<4x16x1024xf32, #tpu.memory_space<vmem>> -> memref<1x16x1024xf32, #tpu.memory_space<vmem>>
        %dma_start3A_278 = tpu.memref_squeeze %dma_start3A_277 : memref<1x16x1024xf32, #tpu.memory_space<vmem>> -> memref<16x1024xf32, #tpu.memory_space<vmem>>
        %dma_start3A_279 = tpu.memref_slice %arg5[%mul3A_272] : memref<1024xi32, #tpu.memory_space<vmem>> -> memref<16xi32, #tpu.memory_space<vmem>>
        %dma_start3A_280 = arith.constant 0 : i32
        %dma_start3A_281 = arith.constant 0 : i32
        %dma_start3A_282 = tpu.memref_slice %arg2[%dma_start3A_280, %dma_start3A_281] : memref<100000x1024xf32, #tpu.memory_space<hbm>> -> memref<100000x1024xf32, #tpu.memory_space<hbm>>
        %dma_start3A_283 = tpu.memref_slice %arg7[%dma_start3A_274] : memref<4x!tpu.dma_semaphore, #tpu.memory_space<semaphore_mem>> -> memref<1x!tpu.dma_semaphore, #tpu.memory_space<semaphore_mem>>
        %dma_start3A_284 = tpu.memref_squeeze %dma_start3A_283 : memref<1x!tpu.dma_semaphore, #tpu.memory_space<semaphore_mem>> -> memref<!tpu.dma_semaphore, #tpu.memory_space<semaphore_mem>>
        tpu.enqueue_indirect_dma source(%dma_start3A_282 : memref<100000x1024xf32, #tpu.memory_space<hbm>>) target(%dma_start3A_278 : memref<16x1024xf32, #tpu.memory_space<vmem>>) offsets(%dma_start3A_279 : memref<16xi32, #tpu.memory_space<vmem>>) semaphore(%dma_start3A_284 : memref<!tpu.dma_semaphore, #tpu.memory_space<semaphore_mem>>)
      } else {
      }
      %add3A_220 = arith.constant 3 : i32
      %add3A_221 = arith.addi %add3A_76, %add3A_220 : i32
      %mul3A_222 = arith.constant 16 : i32
      %mul3A_223 = arith.muli %add3A_221, %mul3A_222 : i32
      %dma_wait3A_224 = arith.constant 3 : i32
      %dma_wait3A_225 = arith.constant 3 : i32
      %dma_wait3A_226 = arith.constant 0 : i32
      %dma_wait3A_227 = arith.constant 0 : i32
      %dma_wait3A_228 = tpu.memref_slice %arg6[%dma_wait3A_224, %dma_wait3A_226, %dma_wait3A_227] : memref<4x16x1024xf32, #tpu.memory_space<vmem>> -> memref<1x16x1024xf32, #tpu.memory_space<vmem>>
      %dma_wait3A_229 = tpu.memref_squeeze %dma_wait3A_228 : memref<1x16x1024xf32, #tpu.memory_space<vmem>> -> memref<16x1024xf32, #tpu.memory_space<vmem>>
      %dma_wait3A_230 = tpu.memref_slice %arg5[%mul3A_223] : memref<1024xi32, #tpu.memory_space<vmem>> -> memref<16xi32, #tpu.memory_space<vmem>>
      %dma_wait3A_231 = arith.constant 0 : i32
      %dma_wait3A_232 = arith.constant 0 : i32
      %dma_wait3A_233 = tpu.memref_slice %arg2[%dma_wait3A_231, %dma_wait3A_232] : memref<100000x1024xf32, #tpu.memory_space<hbm>> -> memref<100000x1024xf32, #tpu.memory_space<hbm>>
      %dma_wait3A_234 = tpu.memref_slice %arg7[%dma_wait3A_225] : memref<4x!tpu.dma_semaphore, #tpu.memory_space<semaphore_mem>> -> memref<1x!tpu.dma_semaphore, #tpu.memory_space<semaphore_mem>>
      %dma_wait3A_235 = tpu.memref_squeeze %dma_wait3A_234 : memref<1x!tpu.dma_semaphore, #tpu.memory_space<semaphore_mem>> -> memref<!tpu.dma_semaphore, #tpu.memory_space<semaphore_mem>>
      tpu.wait_indirect_dma semaphore(%dma_wait3A_235 : memref<!tpu.dma_semaphore, #tpu.memory_space<semaphore_mem>>) src(%dma_wait3A_233 : memref<100000x1024xf32, #tpu.memory_space<hbm>>) dst(%dma_wait3A_229 : memref<16x1024xf32, #tpu.memory_space<vmem>>)
      %mul3A_236 = arith.constant 16 : i32
      %mul3A_237 = arith.muli %add3A_221, %mul3A_236 : i32
      %add3A_238 = arith.addi %mul3A_2, %mul3A_237 : i32
      %dma_start3A_239 = arith.constant 3 : i32
      %dma_start3A_240 = arith.constant 3 : i32
      %dma_start3A_241 = arith.constant 0 : i32
      %dma_start3A_242 = arith.constant 0 : i32
      %dma_start3A_243 = tpu.memref_slice %arg6[%dma_start3A_239, %dma_start3A_241, %dma_start3A_242] : memref<4x16x1024xf32, #tpu.memory_space<vmem>> -> memref<1x16x1024xf32, #tpu.memory_space<vmem>>
      %dma_start3A_244 = tpu.memref_squeeze %dma_start3A_243 : memref<1x16x1024xf32, #tpu.memory_space<vmem>> -> memref<16x1024xf32, #tpu.memory_space<vmem>>
      %dma_start3A_245 = arith.constant 0 : i32
      %dma_start3A_246 = tpu.memref_slice %arg4[%add3A_238, %dma_start3A_245] : memref<32768x1024xf32, #tpu.memory_space<hbm>> -> memref<16x1024xf32, #tpu.memory_space<hbm>>
      %dma_start3A_247 = tpu.memref_slice %arg8[%dma_start3A_240] : memref<4x!tpu.dma_semaphore, #tpu.memory_space<semaphore_mem>> -> memref<1x!tpu.dma_semaphore, #tpu.memory_space<semaphore_mem>>
      %dma_start3A_248 = tpu.memref_squeeze %dma_start3A_247 : memref<1x!tpu.dma_semaphore, #tpu.memory_space<semaphore_mem>> -> memref<!tpu.dma_semaphore, #tpu.memory_space<semaphore_mem>>
      %dma_start3A_249 = arith.constant 0 : i32
      %dma_start3A_250 = tpu.memref_slice %arg4[%add3A_238, %dma_start3A_249] : memref<32768x1024xf32, #tpu.memory_space<hbm>> -> memref<16x1024xf32, #tpu.memory_space<hbm>>
      %dma_start3A_251 = arith.constant 0 : i32
      %dma_start3A_252 = arith.constant 0 : i32
      %dma_start3A_253 = tpu.memref_slice %arg6[%dma_start3A_239, %dma_start3A_251, %dma_start3A_252] : memref<4x16x1024xf32, #tpu.memory_space<vmem>> -> memref<1x16x1024xf32, #tpu.memory_space<vmem>>
      %dma_start3A_254 = tpu.memref_squeeze %dma_start3A_253 : memref<1x16x1024xf32, #tpu.memory_space<vmem>> -> memref<16x1024xf32, #tpu.memory_space<vmem>>
      tpu.enqueue_dma source(%dma_start3A_254 : memref<16x1024xf32, #tpu.memory_space<vmem>>) target(%dma_start3A_250 : memref<16x1024xf32, #tpu.memory_space<hbm>>) target_semaphore(%dma_start3A_248 : memref<!tpu.dma_semaphore, #tpu.memory_space<semaphore_mem>>)
      %add3A_255 = arith.constant 1 : i32
      %add3A_256 = arith.addi %add3A_221, %add3A_255 : i32
      %ge3A_257 = arith.constant 4 : i32
      %ge3A_258 = arith.cmpi sge, %add3A_256, %ge3A_257 : i32
      %convert_element_type3A_259 = arith.extui %ge3A_258 : i1 to i32
      %cond3A_260 = arith.constant 0 : i32
      %cond3A_261 = arith.cmpi ne, %convert_element_type3A_259, %cond3A_260 : i32
      scf.if %cond3A_261 {
        %add3A_269 = arith.constant 1 : i32
        %add3A_270 = arith.addi %add3A_221, %add3A_269 : i32
        %sub3A = arith.constant 4 : i32
        %sub3A_271 = arith.subi %add3A_270, %sub3A : i32
        %mul3A_272 = arith.constant 16 : i32
        %mul3A_273 = arith.muli %sub3A_271, %mul3A_272 : i32
        %add3A_274 = arith.addi %mul3A_2, %mul3A_273 : i32
        %dma_wait3A_275 = arith.constant 0 : i32
        %dma_wait3A_276 = arith.constant 0 : i32
        %dma_wait3A_277 = arith.constant 0 : i32
        %dma_wait3A_278 = arith.constant 0 : i32
        %dma_wait3A_279 = tpu.memref_slice %arg6[%dma_wait3A_275, %dma_wait3A_277, %dma_wait3A_278] : memref<4x16x1024xf32, #tpu.memory_space<vmem>> -> memref<1x16x1024xf32, #tpu.memory_space<vmem>>
        %dma_wait3A_280 = tpu.memref_squeeze %dma_wait3A_279 : memref<1x16x1024xf32, #tpu.memory_space<vmem>> -> memref<16x1024xf32, #tpu.memory_space<vmem>>
        %dma_wait3A_281 = arith.constant 0 : i32
        %dma_wait3A_282 = tpu.memref_slice %arg4[%add3A_274, %dma_wait3A_281] : memref<32768x1024xf32, #tpu.memory_space<hbm>> -> memref<16x1024xf32, #tpu.memory_space<hbm>>
        %dma_wait3A_283 = tpu.memref_slice %arg8[%dma_wait3A_276] : memref<4x!tpu.dma_semaphore, #tpu.memory_space<semaphore_mem>> -> memref<1x!tpu.dma_semaphore, #tpu.memory_space<semaphore_mem>>
        %dma_wait3A_284 = tpu.memref_squeeze %dma_wait3A_283 : memref<1x!tpu.dma_semaphore, #tpu.memory_space<semaphore_mem>> -> memref<!tpu.dma_semaphore, #tpu.memory_space<semaphore_mem>>
        %dma_wait3A_285 = arith.constant 0 : i32
        %dma_wait3A_286 = tpu.memref_slice %arg4[%add3A_274, %dma_wait3A_285] : memref<32768x1024xf32, #tpu.memory_space<hbm>> -> memref<16x1024xf32, #tpu.memory_space<hbm>>
        %dma_wait3A_287 = arith.constant 0 : i32
        %dma_wait3A_288 = arith.constant 0 : i32
        %dma_wait3A_289 = tpu.memref_slice %arg6[%dma_wait3A_275, %dma_wait3A_287, %dma_wait3A_288] : memref<4x16x1024xf32, #tpu.memory_space<vmem>> -> memref<1x16x1024xf32, #tpu.memory_space<vmem>>
        %dma_wait3A_290 = tpu.memref_squeeze %dma_wait3A_289 : memref<1x16x1024xf32, #tpu.memory_space<vmem>> -> memref<16x1024xf32, #tpu.memory_space<vmem>>
        tpu.wait_dma2 semaphore(%dma_wait3A_284 : memref<!tpu.dma_semaphore, #tpu.memory_space<semaphore_mem>>) src(%dma_wait3A_290 : memref<16x1024xf32, #tpu.memory_space<vmem>>) dst(%dma_wait3A_286 : memref<16x1024xf32, #tpu.memory_space<hbm>>)
      } else {
      }
      %add3A_262 = arith.constant 1 : i32
      %add3A_263 = arith.addi %add3A_221, %add3A_262 : i32
      %lt3A_264 = arith.constant 64 : i32
      %lt3A_265 = arith.cmpi slt, %add3A_263, %lt3A_264 : i32
      %convert_element_type3A_266 = arith.extui %lt3A_265 : i1 to i32
      %cond3A_267 = arith.constant 0 : i32
      %cond3A_268 = arith.cmpi ne, %convert_element_type3A_266, %cond3A_267 : i32
      scf.if %cond3A_268 {
        %add3A_269 = arith.constant 1 : i32
        %add3A_270 = arith.addi %add3A_221, %add3A_269 : i32
        %mul3A_271 = arith.constant 16 : i32
        %mul3A_272 = arith.muli %add3A_270, %mul3A_271 : i32
        %dma_start3A_273 = arith.constant 0 : i32
        %dma_start3A_274 = arith.constant 0 : i32
        %dma_start3A_275 = arith.constant 0 : i32
        %dma_start3A_276 = arith.constant 0 : i32
        %dma_start3A_277 = tpu.memref_slice %arg6[%dma_start3A_273, %dma_start3A_275, %dma_start3A_276] : memref<4x16x1024xf32, #tpu.memory_space<vmem>> -> memref<1x16x1024xf32, #tpu.memory_space<vmem>>
        %dma_start3A_278 = tpu.memref_squeeze %dma_start3A_277 : memref<1x16x1024xf32, #tpu.memory_space<vmem>> -> memref<16x1024xf32, #tpu.memory_space<vmem>>
        %dma_start3A_279 = tpu.memref_slice %arg5[%mul3A_272] : memref<1024xi32, #tpu.memory_space<vmem>> -> memref<16xi32, #tpu.memory_space<vmem>>
        %dma_start3A_280 = arith.constant 0 : i32
        %dma_start3A_281 = arith.constant 0 : i32
        %dma_start3A_282 = tpu.memref_slice %arg2[%dma_start3A_280, %dma_start3A_281] : memref<100000x1024xf32, #tpu.memory_space<hbm>> -> memref<100000x1024xf32, #tpu.memory_space<hbm>>
        %dma_start3A_283 = tpu.memref_slice %arg7[%dma_start3A_274] : memref<4x!tpu.dma_semaphore, #tpu.memory_space<semaphore_mem>> -> memref<1x!tpu.dma_semaphore, #tpu.memory_space<semaphore_mem>>
        %dma_start3A_284 = tpu.memref_squeeze %dma_start3A_283 : memref<1x!tpu.dma_semaphore, #tpu.memory_space<semaphore_mem>> -> memref<!tpu.dma_semaphore, #tpu.memory_space<semaphore_mem>>
        tpu.enqueue_indirect_dma source(%dma_start3A_282 : memref<100000x1024xf32, #tpu.memory_space<hbm>>) target(%dma_start3A_278 : memref<16x1024xf32, #tpu.memory_space<vmem>>) offsets(%dma_start3A_279 : memref<16xi32, #tpu.memory_space<vmem>>) semaphore(%dma_start3A_284 : memref<!tpu.dma_semaphore, #tpu.memory_space<semaphore_mem>>)
      } else {
      }
    }
    %scan3A_18 = arith.constant 16 : i32
    %add3A_19 = arith.constant 976 : i32
    %add3A_20 = arith.addi %mul3A_2, %add3A_19 : i32
    %dma_wait3A = arith.constant 1 : i32
    %dma_wait3A_21 = arith.constant 1 : i32
    %dma_wait3A_22 = arith.constant 0 : i32
    %dma_wait3A_23 = arith.constant 0 : i32
    %dma_wait3A_24 = tpu.memref_slice %arg6[%dma_wait3A, %dma_wait3A_22, %dma_wait3A_23] : memref<4x16x1024xf32, #tpu.memory_space<vmem>> -> memref<1x16x1024xf32, #tpu.memory_space<vmem>>
    %dma_wait3A_25 = tpu.memref_squeeze %dma_wait3A_24 : memref<1x16x1024xf32, #tpu.memory_space<vmem>> -> memref<16x1024xf32, #tpu.memory_space<vmem>>
    %dma_wait3A_26 = arith.constant 0 : i32
    %dma_wait3A_27 = tpu.memref_slice %arg4[%add3A_20, %dma_wait3A_26] : memref<32768x1024xf32, #tpu.memory_space<hbm>> -> memref<16x1024xf32, #tpu.memory_space<hbm>>
    %dma_wait3A_28 = tpu.memref_slice %arg8[%dma_wait3A_21] : memref<4x!tpu.dma_semaphore, #tpu.memory_space<semaphore_mem>> -> memref<1x!tpu.dma_semaphore, #tpu.memory_space<semaphore_mem>>
    %dma_wait3A_29 = tpu.memref_squeeze %dma_wait3A_28 : memref<1x!tpu.dma_semaphore, #tpu.memory_space<semaphore_mem>> -> memref<!tpu.dma_semaphore, #tpu.memory_space<semaphore_mem>>
    %dma_wait3A_30 = arith.constant 0 : i32
    %dma_wait3A_31 = tpu.memref_slice %arg4[%add3A_20, %dma_wait3A_30] : memref<32768x1024xf32, #tpu.memory_space<hbm>> -> memref<16x1024xf32, #tpu.memory_space<hbm>>
    %dma_wait3A_32 = arith.constant 0 : i32
    %dma_wait3A_33 = arith.constant 0 : i32
    %dma_wait3A_34 = tpu.memref_slice %arg6[%dma_wait3A, %dma_wait3A_32, %dma_wait3A_33] : memref<4x16x1024xf32, #tpu.memory_space<vmem>> -> memref<1x16x1024xf32, #tpu.memory_space<vmem>>
    %dma_wait3A_35 = tpu.memref_squeeze %dma_wait3A_34 : memref<1x16x1024xf32, #tpu.memory_space<vmem>> -> memref<16x1024xf32, #tpu.memory_space<vmem>>
    tpu.wait_dma2 semaphore(%dma_wait3A_29 : memref<!tpu.dma_semaphore, #tpu.memory_space<semaphore_mem>>) src(%dma_wait3A_35 : memref<16x1024xf32, #tpu.memory_space<vmem>>) dst(%dma_wait3A_31 : memref<16x1024xf32, #tpu.memory_space<hbm>>)
    %add3A_36 = arith.constant 992 : i32
    %add3A_37 = arith.addi %mul3A_2, %add3A_36 : i32
    %dma_wait3A_38 = arith.constant 2 : i32
    %dma_wait3A_39 = arith.constant 2 : i32
    %dma_wait3A_40 = arith.constant 0 : i32
    %dma_wait3A_41 = arith.constant 0 : i32
    %dma_wait3A_42 = tpu.memref_slice %arg6[%dma_wait3A_38, %dma_wait3A_40, %dma_wait3A_41] : memref<4x16x1024xf32, #tpu.memory_space<vmem>> -> memref<1x16x1024xf32, #tpu.memory_space<vmem>>
    %dma_wait3A_43 = tpu.memref_squeeze %dma_wait3A_42 : memref<1x16x1024xf32, #tpu.memory_space<vmem>> -> memref<16x1024xf32, #tpu.memory_space<vmem>>
    %dma_wait3A_44 = arith.constant 0 : i32
    %dma_wait3A_45 = tpu.memref_slice %arg4[%add3A_37, %dma_wait3A_44] : memref<32768x1024xf32, #tpu.memory_space<hbm>> -> memref<16x1024xf32, #tpu.memory_space<hbm>>
    %dma_wait3A_46 = tpu.memref_slice %arg8[%dma_wait3A_39] : memref<4x!tpu.dma_semaphore, #tpu.memory_space<semaphore_mem>> -> memref<1x!tpu.dma_semaphore, #tpu.memory_space<semaphore_mem>>
    %dma_wait3A_47 = tpu.memref_squeeze %dma_wait3A_46 : memref<1x!tpu.dma_semaphore, #tpu.memory_space<semaphore_mem>> -> memref<!tpu.dma_semaphore, #tpu.memory_space<semaphore_mem>>
    %dma_wait3A_48 = arith.constant 0 : i32
    %dma_wait3A_49 = tpu.memref_slice %arg4[%add3A_37, %dma_wait3A_48] : memref<32768x1024xf32, #tpu.memory_space<hbm>> -> memref<16x1024xf32, #tpu.memory_space<hbm>>
    %dma_wait3A_50 = arith.constant 0 : i32
    %dma_wait3A_51 = arith.constant 0 : i32
    %dma_wait3A_52 = tpu.memref_slice %arg6[%dma_wait3A_38, %dma_wait3A_50, %dma_wait3A_51] : memref<4x16x1024xf32, #tpu.memory_space<vmem>> -> memref<1x16x1024xf32, #tpu.memory_space<vmem>>
    %dma_wait3A_53 = tpu.memref_squeeze %dma_wait3A_52 : memref<1x16x1024xf32, #tpu.memory_space<vmem>> -> memref<16x1024xf32, #tpu.memory_space<vmem>>
    tpu.wait_dma2 semaphore(%dma_wait3A_47 : memref<!tpu.dma_semaphore, #tpu.memory_space<semaphore_mem>>) src(%dma_wait3A_53 : memref<16x1024xf32, #tpu.memory_space<vmem>>) dst(%dma_wait3A_49 : memref<16x1024xf32, #tpu.memory_space<hbm>>)
    %add3A_54 = arith.constant 1008 : i32
    %add3A_55 = arith.addi %mul3A_2, %add3A_54 : i32
    %dma_wait3A_56 = arith.constant 3 : i32
    %dma_wait3A_57 = arith.constant 3 : i32
    %dma_wait3A_58 = arith.constant 0 : i32
    %dma_wait3A_59 = arith.constant 0 : i32
    %dma_wait3A_60 = tpu.memref_slice %arg6[%dma_wait3A_56, %dma_wait3A_58, %dma_wait3A_59] : memref<4x16x1024xf32, #tpu.memory_space<vmem>> -> memref<1x16x1024xf32, #tpu.memory_space<vmem>>
    %dma_wait3A_61 = tpu.memref_squeeze %dma_wait3A_60 : memref<1x16x1024xf32, #tpu.memory_space<vmem>> -> memref<16x1024xf32, #tpu.memory_space<vmem>>
    %dma_wait3A_62 = arith.constant 0 : i32
    %dma_wait3A_63 = tpu.memref_slice %arg4[%add3A_55, %dma_wait3A_62] : memref<32768x1024xf32, #tpu.memory_space<hbm>> -> memref<16x1024xf32, #tpu.memory_space<hbm>>
    %dma_wait3A_64 = tpu.memref_slice %arg8[%dma_wait3A_57] : memref<4x!tpu.dma_semaphore, #tpu.memory_space<semaphore_mem>> -> memref<1x!tpu.dma_semaphore, #tpu.memory_space<semaphore_mem>>
    %dma_wait3A_65 = tpu.memref_squeeze %dma_wait3A_64 : memref<1x!tpu.dma_semaphore, #tpu.memory_space<semaphore_mem>> -> memref<!tpu.dma_semaphore, #tpu.memory_space<semaphore_mem>>
    %dma_wait3A_66 = arith.constant 0 : i32
    %dma_wait3A_67 = tpu.memref_slice %arg4[%add3A_55, %dma_wait3A_66] : memref<32768x1024xf32, #tpu.memory_space<hbm>> -> memref<16x1024xf32, #tpu.memory_space<hbm>>
    %dma_wait3A_68 = arith.constant 0 : i32
    %dma_wait3A_69 = arith.constant 0 : i32
    %dma_wait3A_70 = tpu.memref_slice %arg6[%dma_wait3A_56, %dma_wait3A_68, %dma_wait3A_69] : memref<4x16x1024xf32, #tpu.memory_space<vmem>> -> memref<1x16x1024xf32, #tpu.memory_space<vmem>>
    %dma_wait3A_71 = tpu.memref_squeeze %dma_wait3A_70 : memref<1x16x1024xf32, #tpu.memory_space<vmem>> -> memref<16x1024xf32, #tpu.memory_space<vmem>>
    tpu.wait_dma2 semaphore(%dma_wait3A_65 : memref<!tpu.dma_semaphore, #tpu.memory_space<semaphore_mem>>) src(%dma_wait3A_71 : memref<16x1024xf32, #tpu.memory_space<vmem>>) dst(%dma_wait3A_67 : memref<16x1024xf32, #tpu.memory_space<hbm>>)
    return
  }
}

</mosaic_0001>

<sc_bundles>
// kernel: kernel.3.cloned.1.call-start
scs
__scs_entry_jumppad:
0x0: {  	(pc) =	sbr.rel $0x88, $3  }
0x1: {  	(tag) =	ssettag $0x0;
	lr =	simm.s32 $0x1  }
0x2: {  	[smem:$0x3F9F] =	sst lr;
	_ =	strace $0xD0000000  }
0x3: {  	_ = 	snop  }
0x4: {  	_ = 	snop  }
0x5: {  	_ = 	snop  }
0x6: {  	_ = 	snop  }
0x7: {  	_ = 	snop  }
__scs_overlays_trampoline_lowered:
0x8: {  	[smem:$0x3FAE] =	sst s0  }
0x9: {  	[smem:$0x3FAF] =	sst s1  }
0xa: {  	[smem:$0x3FB0] =	sst s2  }
0xb: {  	[smem:$0x3FB1] =	sst s3  }
0xc: {  	[smem:$0x3FB2] =	sst s4  }
0xd: {  	[smem:$0x3FB3] =	sst s5  }
0xe: {  	[smem:$0x3FB4] =	sst s6  }
0xf: {  	[smem:$0x3FB5] =	sst s7  }
0x10: {  	[smem:$0x3FB6] =	sst s8  }
0x11: {  	[smem:$0x3FB7] =	sst s9;
	s0 =	simm.s32 @!p0 $0x0  }
0x12: {  	s1 =	sld [smem:$0x3F9D];
	s0 =	simm.s32 @p0 $0x1  }
0x13: {  	[smem:$0x3FB8] =	sst s0;
	s0 =	simm.s32 @!p1 $0x0  }
0x14: {  	s2 =	sld [smem:$0x3F9C];
	s0 =	simm.s32 @p1 $0x1  }
0x15: {  	[smem:$0x3FB9] =	sst s0;
	s0 =	simm.s32 @!p2 $0x0  }
0x16: {  	s3 =	sld [smem:$0x3FDB];
	s0 =	simm.s32 @p2 $0x1  }
0x17: {  	s4 =	simm.s32 $0x1BF5;
	[smem:$0x3FBB] =	sst s0  }
0x18: {  	s0 =	sld [smem:$0x3F9E];
	_ =	swait.ge [sflag:s4], $0x0  }
0x19: {  	s7 =	sld [smem:$0x3F9F]  }
0x1a: {  	s8 =	sadd.s32 $0xFFFFE003, lr  }
0x1b: {  	s9 =	sadd.s32 $0xFFFFFEF7, lr;
	s5 =	simm.s32 $0xFFFFFFFF;
	p2 =	slt.u32 s8, $0xFFFFF086  }
0x1c: {  	p1 =	slt.u32 s9, $0xF7A;
	s5 =	simm.s32 @!p2 $0x0  }
0x1d: {  	s5 =	simm.s32 @p1 $0x1;
	p0 =	seq.s32 s7, s2  }
0x1e: {  	s7 =	smul.u32 @!p0 $0xF7A, s2;
	p2 =	seq.s32 @!p0 s5, $0x0  }
0x1f: {  	s9 =	smul.u32 $0xF7A, s1;
	s8 =	simm.s32 @!p0 $0x1BF5;
	p2 =	por !p2, p0  }
0x20: {  	[sflag:s8] =	ssyncset.s32 @!p0 $0xFFFFF086;
	s6 =	sadd.s32 @!p0 s3, s7;
	s7 =	simm.s32 @!p0 $0x108  }
0x21: {  	s3 =	sadd.s32 s3, s9;
	s6 =	sadd.s32 @!p0 $0x88, s6;
	s7 =	simm.s32 @p2 $0x1082  }
0x22: {  	[simem:s7], [sflag:s8] =	dma.local @!p0 [hbm:s6], $0xF7A  }
0x23: {  	s9 =	sor.u32 $0xD0000000, s2;
	s6 =	simm.s32 $0x108;
	_ =	swait.ge @!p0 [sflag:s8], $0x0  }
0x24: {  	s3 =	sadd.s32 $0x88, s3;
	s6 =	simm.s32 @!p1 $0x1082;
	[sflag:s4] =	ssyncset.s32 $0xFFFFF086  }
0x25: {  	[simem:s6], [sflag:s4] =	dma.local [hbm:s3], $0xF7A  }
0x26: {  	[smem:$0x3F9F] =	sst s1;
	(tag) =	ssettag s2;
	_ =	strace s9  }
0x27: {  	s1 =	sld [smem:$0x3FAF]  }
0x28: {  	s2 =	sld [smem:$0x3FB0]  }
0x29: {  	s4 =	sld [smem:$0x3FB2]  }
0x2a: {  	p0 =	seq.s32 s5, $0x0;
	s5 =	sld [smem:$0x3FB3]  }
0x2b: {  	s6 =	sld [smem:$0x3FB4]  }
0x2c: {  	s7 =	sld [smem:$0x3FB5]  }
0x2d: {  	s3 =	simm.s32 $0x108;
	s8 =	sld [smem:$0x3FB6]  }
0x2e: {  	s3 =	simm.s32 @!p0 $0x1082;
	s9 =	sld [smem:$0x3FB7]  }
0x2f: {  	lr =	sadd.s32 s0, s3;
	s0 =	sld [smem:$0x3FAE]  }
0x30: {  	s3 =	sld [smem:$0x3FB1]  }
0x31: {  	[smem:$0x3FBA] =	sst s10  }
0x32: {  	s10 =	sld [smem:$0x3FB8];
	_ =	sdelay $0x3  }
0x33: {  	p0 =	seq.s32 s10, $0x1;
	s10 =	sld [smem:$0x3FBA];
	_ =	sdelay $0x3  }
0x34: {  	[smem:$0x3FBA] =	sst s10  }
0x35: {  	s10 =	sld [smem:$0x3FB9];
	_ =	sdelay $0x3  }
0x36: {  	p1 =	seq.s32 s10, $0x1;
	s10 =	sld [smem:$0x3FBA];
	_ =	sdelay $0x3  }
0x37: {  	[smem:$0x3FBA] =	sst s10  }
0x38: {  	s10 =	sld [smem:$0x3FBB]  }
0x39: {  	_ = 	snop;
	(pc) =	sbr.ind lr, $3  }
0x3a: {  	_ = 	snop  }
0x3b: {  	_ = 	snop  }
0x3c: {  	p2 =	seq.s32 s10, $0x1;
	s10 =	sld [smem:$0x3FBA]  }
0x3d: {  	_ =	shalt  }
0x3e: {  	_ =	shalt  }
0x3f: {  	_ =	shalt  }
0x40: {  	_ =	shalt  }
0x41: {  	_ =	shalt  }
0x42: {  	_ =	shalt  }
0x43: {  	_ =	shalt  }
0x44: {  	_ =	shalt  }
0x45: {  	_ =	shalt  }
0x46: {  	_ =	shalt  }
0x47: {  	_ =	shalt  }
0x48: {  	_ =	shalt  }
0x49: {  	_ =	shalt  }
0x4a: {  	_ =	shalt  }
0x4b: {  	_ =	shalt  }
0x4c: {  	_ =	shalt  }
0x4d: {  	_ =	shalt  }
0x4e: {  	_ =	shalt  }
0x4f: {  	_ =	shalt  }
0x50: {  	_ =	shalt  }
0x51: {  	_ =	shalt  }
0x52: {  	_ =	shalt  }
0x53: {  	_ =	shalt  }
0x54: {  	_ =	shalt  }
0x55: {  	_ =	shalt  }
0x56: {  	_ =	shalt  }
0x57: {  	_ =	shalt  }
0x58: {  	_ =	shalt  }
0x59: {  	_ =	shalt  }
0x5a: {  	_ =	shalt  }
0x5b: {  	_ =	shalt  }
0x5c: {  	_ =	shalt  }
0x5d: {  	_ =	shalt  }
0x5e: {  	_ =	shalt  }
0x5f: {  	_ =	shalt  }
0x60: {  	_ =	shalt  }
0x61: {  	_ =	shalt  }
0x62: {  	_ =	shalt  }
0x63: {  	_ =	shalt  }
0x64: {  	_ =	shalt  }
0x65: {  	_ =	shalt  }
0x66: {  	_ =	shalt  }
0x67: {  	_ =	shalt  }
0x68: {  	_ =	shalt  }
0x69: {  	_ =	shalt  }
0x6a: {  	_ =	shalt  }
0x6b: {  	_ =	shalt  }
0x6c: {  	_ =	shalt  }
0x6d: {  	_ =	shalt  }
0x6e: {  	_ =	shalt  }
0x6f: {  	_ =	shalt  }
0x70: {  	_ =	shalt  }
0x71: {  	_ =	shalt  }
0x72: {  	_ =	shalt  }
0x73: {  	_ =	shalt  }
0x74: {  	_ =	shalt  }
0x75: {  	_ =	shalt  }
0x76: {  	_ =	shalt  }
0x77: {  	_ =	shalt  }
0x78: {  	_ =	shalt  }
0x79: {  	_ =	shalt  }
0x7a: {  	_ =	shalt  }
0x7b: {  	_ =	shalt  }
0x7c: {  	_ =	shalt  }
0x7d: {  	_ =	shalt  }
0x7e: {  	_ =	shalt  }
0x7f: {  	_ =	shalt  }
0x80: {  	_ =	shalt  }
0x81: {  	_ =	shalt  }
0x82: {  	_ =	shalt  }
0x83: {  	_ =	shalt  }
0x84: {  	_ =	shalt  }
0x85: {  	_ =	shalt  }
0x86: {  	_ =	shalt  }
0x87: {  	_ =	shalt  }
.Lfunc_end0:
.L_simem_size_0:
called_computation_lowered:
.L_overlay_start_0:
0x88: {  	s2 =	sld [smem:$0x3FD9]  }
0x89: {  	s3 =	sld [smem:$0x3FFE];
	_ =	sdelay $0x1  }
0x8a: {  	s1 =	srdreg.scid  }
0x8b: {  	s0 =	sand.u32 $0x1, s1  }
0x8c: {  	s17 =	sshll.u32 s0, $0xA;
	s2 =	sadd.s32 s3, s2  }
0x8d: {  	s2 =	sadd.s32 s2, s17  }
0x8e: {  	[smem:$0x3FC6] =	sst s2  }
0x8f: {  	_ = 	snop  }
0x90: {  	s2 =	sld [smem:$0x3FC8]  }
0x91: {  	s18 =	sld [smem:$0x3FD0];
	(tm) =	ssettm $0x1  }
0x92: {  	s4 =	sld [smem:$0x3FFB];
	_ =	sdelay $0x3  }
0x93: {  	_ =	strace s4  }
0x94: {  	s4 =	sld [smem:$0x3FFC];
	_ =	sdelay $0x3  }
0x95: {  	_ =	strace s4  }
0x96: {  	s4 =	sld [smem:$0x3FFD];
	_ =	sdelay $0x3  }
0x97: {  	_ =	strace s4  }
0x98: {  	_ =	strace $0x8FFFFFFF  }
0x99: {  	s19 =	sld [smem:$0x3FDB];
	_ =	sdelay $0x1  }
0x9a: {  	s5 =	simm.s32 $_scs_section_size  }
0x9b: {  	s6 =	simm.s32 $_size__tile_overlayer_lowered;
	s7 =	simm.s32 $_tile_overlayer_lowered  }
0x9c: {  	s22 =	simm.s32 $0x1BFF;
	s21 =	sshll.u32 s7, $0x1;
	s4 =	sadd.s32 s5, s19  }
0x9d: {  	s8 =	simm.s32 $0x0;
	s20 =	sshll.u32 s6, $0x1;
	s6 =	sadd.s32 s21, s4  }
0x9e: {  	[timem:s8], [sflag:s22] =	dma.local [hbm:s6], s20  }
0x9f: {  	_ =	swait.ge [sflag:s22], s20  }
0xa0: {  	s5 =	ssub.s32 $0x0, s20;
	[sflag:s22] =	ssyncset.done $0x0  }
0xa1: {  	[sflag:s22] =	ssyncadd.s32 s5;
	_ =	sdelay $0x1  }
0xa2: {  	s23 =	simm.s32 $0x1B8B  }
0xa3: {  	_ =	swait.ge [sflag:s23], $0x1  }
0xa4: {  	[sflag:s23] =	ssyncset.done $0x0  }
0xa5: {  	s25 =	simm.s32 $0x1B8E;
	s24 =	sld [smem:$0x3FFE];
	[sflag:s23] =	ssyncadd.s32 $0xFFFFFFFF  }
0xa6: {  	s26 =	simm.s32 $execute0_lowered;
	[smem:$0x3FD2] =	sst s25  }
0xa7: {  	s6 =	sshll.u32 s26, $0x1;
	_ =	strace $0x80000046;
	[dreg:$0x1] =	wrdreg $0xFFFFFFFF  }
0xa8: {  	s28 =	simm.s32 $_size_execute0_lowered;
	s4 =	sadd.s32 s4, s6;
	[dreg:$0x0] =	wrdreg $0x0  }
0xa9: {  	s6 =	sshll.u32 s28, $0x1;
	[dreg:$0x2] =	wrdreg s4  }
0xaa: {  	[dreg:$0x3] =	wrdreg s6  }
0xab: {  	[dreg:$0x4] =	wrdreg $0xC0  }
0xac: {  	_ =	task [dreg:s8], $0x5FFFF  }
0xad: {  	[dreg:$0x1] =	wrdreg $0xFFFFFFFF  }
0xae: {  	[dreg:$0x0] =	wrdreg $0x60  }
0xaf: {  	[dreg:$0x2] =	wrdreg s2  }
0xb0: {  	[dreg:$0x3] =	wrdreg s24  }
0xb1: {  	[dreg:$0x4] =	wrdreg s18  }
0xb2: {  	[dreg:$0x5] =	wrdreg $0x9  }
0xb3: {  	_ =	task.clear_ibuf [dreg:s8], $0x6FFFF;
	_ =	strace $0x90000046  }
0xb4: {  	s29 =	simm.s32 $0x9;
	_ =	strace $0x80000048  }
0xb5: {  	_ =	swait.ge [sflag:s29], $0x1  }
0xb6: {  	[sflag:s29] =	ssyncadd.s32 $0xFFFFFFFF  }
0xb7: {  	_ =	strace $0x90000048  }
0xb8: {  	_ =	sfence  }
0xb9: {  	s30 =	sld [smem:$0x0];
	_ =	sdelay $0x2  }
0xba: {  	s31 =	sshll.u32 s1, $0xD;
	s1 =	sshrl.u32 s1, $0x2  }
0xbb: {  	s3 =	sand.u32 $0x4000, s31;
	s1 =	sadd.s32 s1, s30  }
0xbc: {  	s0 =	sor.u32 s3, s0;
	s1 =	sshll.u32 s1, $0x11  }
0xbd: {  	s0 =	sor.u32 s1, s0  }
0xbe: {  	s0 =	sadd.s32 $0x8F2B, s0  }
0xbf: {  	[sflag:s0] =	ssyncadd.remote.s32 $0x1  }
0xc0: {  	_ =	sfence.sel $0xFFFF  }
0xc1: {  	[dreg:$0x0] =	wrdreg $0xFFFFFFFF;
	(pc) =	sbr.abs _section_cstart, $3  }
0xc2: {  	[dreg:$0x1] =	wrdreg $0xFFFFFFFF  }
0xc3: {  	_ =	task.clear_ibuf [dreg:s8], $0x2FFFF;
	_ =	strace $0x9FFFFFFF  }
0xc4: {  	(tm) =	ssettm $0x7FFFFFFF  }
0xc5: {  	_ =	shalt  }
tec
execute0_lowered:
.L_overlay_start_1:
0x0: {  	(tag) =	ssettag $0x1  }
0x1: {  	s2 =	rddreg [dreg:$0x0]  }
0x2: {  	s0 =	rddreg [dreg:$0x1];
	s1 =	srdreg.scid  }
0x3: {  	s4 =	rddreg [dreg:$0x2];
	s9 =	stileid.u32;
	s3 =	simm.s32 $0x0  }
0x4: {  	s11 =	simm.s32 $0x400;
	s19 =	simm.s32 $0x1;
	s20 =	simm.s32 $0x4400  }
0x5: {  	s29 =	simm.s32 $0x2;
	s30 =	simm.s32 $0x8400;
	s10 =	simm.s32 $0xB400  }
0x6: {  	s12 =	simm.s32 $0xBC00;
	s13 =	simm.s32 $0x3;
	s14 =	simm.s32 $0xC400  }
0x7: {  	s15 =	simm.s32 $0xCC00;
	s16 =	simm.s32 $0xD400;
	s17 =	simm.s32 $0xDC00  }
0x8: {  	s18 =	simm.s32 $0xE400;
	s21 =	simm.s32 $0xEC00;
	s22 =	simm.s32 $0xF400  }
0x9: {  	s23 =	simm.s32 $0xFC00;
	s24 =	simm.s32 $0x4;
	s28 =	simm.s32 $0x0  }
0xa: {  	s1 =	sand.u32 $0x1, s1;
	s5 =	sshll.u32 s9, $0xB;
	[smem:$0x7FF] =	sst s3  }
0xb: {  	s26 =	sshll.u32 s9, $0x12;
	s6 =	sshll.u32 s1, $0xA;
	s25 =	ssub.s32 $0x2, s1  }
0xc: {  	_ =	strace $0x80000047;
	s1 =	sshll.u32 s1, $0x11;
	s5 =	sor.u32 s6, s5  }
0xd: {  	s7 =	sshrl.u32 s25, $0x1;
	s6 =	sadd.s32 $0x200, s2;
	s5 =	sshrl.u32 s5, $0x3  }
.Ltmp0:
0xe: {  	s8 =	ssub.s32 s25, s7;
	s7 =	sadd.s32 $0x300, s2;
	(pc) =	sbr.rel .LBB2_1-.Ltmp0, $4  }
0xf: {  	s25 =	simm.s32 $0x5;
	s0 =	sadd.s32 s5, s0;
	s31 =	smax.u32 s8, $0x1  }
0x10: {  	v2 =	vlaneseq.u32;
	s5 =	sadd.s32 $0x100, s2;
	s0 =	sadd.s32 $0x400, s0;
	[dreg:$0x5] =	wrdreg s31  }
0x11: {  	vm0 =	vmmov $0xffff;
	v1 =	vshrl.u32 v2, $0x3;
	s8 =	simm.s32 $0xAC00;
	[dreg:$0x4] =	wrdreg s0;
	s0 =	sadd.s32 s26, s4  }
0x12: {  	v0 =	vand.u32 $0x7, v2;
	v2 =	vor.u32 $0x8, v2;
	v1 =	vmul.u32 $0x8, v1;
	s4 =	simm.s32 $0xA400;
	s9 =	sadd.s32 s1, s0;
	s1 =	simm.s32 $0x9C00  }
.LBB2_4:
0x13: {  	s0 =	simm.s32 $0x6  }
0x14: {  	_ =	swait.ge [sflag:s0], $0x4000  }
0x15: {  	[sflag:s0] =	ssyncset.done $0x0  }
0x16: {  	s26 =	simm.s32 $0x7;
	[sflag:s0] =	ssyncadd.s32 $0xFFFFC000  }
0x17: {  	_ =	swait.ge [sflag:s26], $0x4000  }
0x18: {  	[sflag:s26] =	ssyncset.done $0x0  }
0x19: {  	[sflag:s26] =	ssyncadd.s32 $0xFFFFC000;
	s26 =	simm.s32 $0x8  }
0x1a: {  	_ =	swait.ge [sflag:s26], $0x4000  }
0x1b: {  	s28 =	rddreg [dreg:$0x6]  }
0x1c: {  	s31 =	rddreg [dreg:$0x5];
	s28 =	sadd.s32 $0x1, s28  }
0x1d: {  	p0 =	sne.s32 s28, s31  }
.Ltmp1:
0x1e: {  	_ = 	snop;
	(pc) =	sbr.rel @!p0 .LBB2_5-.Ltmp1, $3  }
0x1f: {  	_ =	sdelay $0x1  }
0x20: {  	[sflag:s26] =	ssyncset.done $0x0  }
0x21: {  	[sflag:s26] =	ssyncadd.s32 $0xFFFFC000  }
.LBB2_1:
0x22: {  	[dreg:$0x6] =	wrdreg s28  }
0x23: {  	s0 =	rddreg [dreg:$0x4];
	s26 =	simm.s32 $0x9  }
0x24: {  	[tilespmem:s3], [sflag:$0x9] =	stream.linear.gather [hbm4b:s0+s3], $0x400, $0x38;
	[tilespmem:$0x10400] =	vst v63  }
0x25: {  	_ =	swait.ge [sflag:s26], $0x400  }
0x26: {  	[sflag:s26] =	ssyncset.done $0x0  }
0x27: {  	[sflag:s26] =	ssyncadd.s32 $0xFFFFFC00  }
0x28: {  	v3 =	vld [tilespmem:$0x0];
	_ =	sdelay $0x4  }
0x29: {  	v4 =	vshll.u32 v3, $0x3  }
0x2a: {  	v3 =	vand.u32 $0x7, v3;
	v4 =	vand.u32 $0xFFFFFFC0, v4  }
0x2b: {  	v3 =	vor.u32 v3, v4  }
0x2c: {  	v4 =	vperm.xlane v3, v0;
	_ =	sdelay $0x1  }
0x2d: {  	v4 =	vadd.s32 v1, v4;
	_ =	sdelay $0x4  }
0x2e: {  	[tilespmem:s11], [sflag:$0x1] =	stream.indirect_vreg.gather [hbm4b:s2+s3], $0x80, v4, vm0, $0xb8;
	[tilespmem:$0x10400] =	vst v63  }
0x2f: {  	s31 =	simm.s32 $0xC00;
	v3 =	vperm.xlane v3, v2  }
0x30: {  	[tilespmem:s31], [sflag:$0x1] =	stream.indirect_vreg.gather [hbm4b:s5+s3], $0x80, v4, vm0, $0xb8;
	[tilespmem:$0x10400] =	vst v63  }
0x31: {  	s26 =	simm.s32 $0x1400;
	v3 =	vadd.s32 v1, v3  }
0x32: {  	[tilespmem:s26], [sflag:$0x1] =	stream.indirect_vreg.gather [hbm4b:s6+s3], $0x80, v4, vm0, $0xb8;
	[tilespmem:$0x10400] =	vst v63  }
0x33: {  	s31 =	simm.s32 $0x1C00  }
0x34: {  	[tilespmem:s31], [sflag:$0x1] =	stream.indirect_vreg.gather [hbm4b:s7+s3], $0x80, v4, vm0, $0xb8;
	[tilespmem:$0x10400] =	vst v63  }
0x35: {  	s26 =	simm.s32 $0x2400  }
0x36: {  	[tilespmem:s26], [sflag:$0x1] =	stream.indirect_vreg.gather [hbm4b:s2+s3], $0x80, v3, vm0, $0xb8;
	[tilespmem:$0x10400] =	vst v63  }
0x37: {  	s31 =	simm.s32 $0x2C00  }
0x38: {  	[tilespmem:s31], [sflag:$0x1] =	stream.indirect_vreg.gather [hbm4b:s5+s3], $0x80, v3, vm0, $0xb8;
	[tilespmem:$0x10400] =	vst v63  }
0x39: {  	s26 =	simm.s32 $0x3400  }
0x3a: {  	[tilespmem:s26], [sflag:$0x1] =	stream.indirect_vreg.gather [hbm4b:s6+s3], $0x80, v3, vm0, $0xb8;
	[tilespmem:$0x10400] =	vst v63  }
0x3b: {  	s28 =	simm.s32 $0x0;
	s31 =	simm.s32 $0x3C00;
	s26 =	simm.s32 $0x20  }
0x3c: {  	[tilespmem:s31], [sflag:$0x1] =	stream.indirect_vreg.gather [hbm4b:s7+s3], $0x80, v3, vm0, $0xb8;
	[tilespmem:$0x10400] =	vst v63  }
.LBB2_2:
0x3d: {  	_ =	swait.ge [sflag:s19], $0x4000  }
0x3e: {  	p0 =	seq.s32 s28, $0x0;
	[sflag:s19] =	ssyncset.done $0x0  }
0x3f: {  	s31 =	sadd.s32 s28, s9;
	s0 =	simm.s32 @!p0 $0x6;
	[sflag:s19] =	ssyncadd.s32 $0xFFFFC000  }
0x40: {  	[hbm4b:s31+s3] =	stream.linear.scatter [tilespmem:s11], [sflag:$0x5], $0x4000, $0x38;
	[tilespmem:$0x10400] =	vst v63  }
0x41: {  	_ =	swait.ge @!p0 [sflag:s0], $0x4000  }
0x42: {  	[sflag:s0] =	ssyncset.done @!p0 $0x0  }
0x43: {  	[sflag:s0] =	ssyncadd.s32 @!p0 $0xFFFFC000  }
0x44: {  	v3 =	vld [tilespmem:s26+$0xFFFFFFF0];
	_ =	sdelay $0x4  }
0x45: {  	v4 =	vshll.u32 v3, $0x3  }
0x46: {  	v3 =	vand.u32 $0x7, v3;
	v4 =	vand.u32 $0xFFFFFFC0, v4  }
0x47: {  	v3 =	vor.u32 v3, v4  }
0x48: {  	v4 =	vperm.xlane v3, v0;
	_ =	sdelay $0x1  }
0x49: {  	v4 =	vadd.s32 v1, v4;
	_ =	sdelay $0x4  }
0x4a: {  	[tilespmem:s20], [sflag:$0x2] =	stream.indirect_vreg.gather [hbm4b:s2+s3], $0x80, v4, vm0, $0xb8;
	[tilespmem:$0x10400] =	vst v63  }
0x4b: {  	s0 =	simm.s32 $0x4C00;
	v3 =	vperm.xlane v3, v2  }
0x4c: {  	[tilespmem:s0], [sflag:$0x2] =	stream.indirect_vreg.gather [hbm4b:s5+s3], $0x80, v4, vm0, $0xb8;
	[tilespmem:$0x10400] =	vst v63  }
0x4d: {  	v3 =	vadd.s32 v1, v3;
	s0 =	simm.s32 $0x5400  }
0x4e: {  	[tilespmem:s0], [sflag:$0x2] =	stream.indirect_vreg.gather [hbm4b:s6+s3], $0x80, v4, vm0, $0xb8;
	[tilespmem:$0x10400] =	vst v63  }
0x4f: {  	s0 =	simm.s32 $0x5C00  }
0x50: {  	[tilespmem:s0], [sflag:$0x2] =	stream.indirect_vreg.gather [hbm4b:s7+s3], $0x80, v4, vm0, $0xb8;
	[tilespmem:$0x10400] =	vst v63  }
0x51: {  	s0 =	simm.s32 $0x6400  }
0x52: {  	[tilespmem:s0], [sflag:$0x2] =	stream.indirect_vreg.gather [hbm4b:s2+s3], $0x80, v3, vm0, $0xb8;
	[tilespmem:$0x10400] =	vst v63  }
0x53: {  	s0 =	simm.s32 $0x6C00  }
0x54: {  	[tilespmem:s0], [sflag:$0x2] =	stream.indirect_vreg.gather [hbm4b:s5+s3], $0x80, v3, vm0, $0xb8;
	[tilespmem:$0x10400] =	vst v63  }
0x55: {  	s0 =	simm.s32 $0x7400  }
0x56: {  	[tilespmem:s0], [sflag:$0x2] =	stream.indirect_vreg.gather [hbm4b:s6+s3], $0x80, v3, vm0, $0xb8;
	[tilespmem:$0x10400] =	vst v63  }
0x57: {  	s0 =	simm.s32 $0x7C00  }
0x58: {  	[tilespmem:s0], [sflag:$0x2] =	stream.indirect_vreg.gather [hbm4b:s7+s3], $0x80, v3, vm0, $0xb8;
	[tilespmem:$0x10400] =	vst v63  }
0x59: {  	_ =	swait.ge [sflag:s29], $0x4000  }
0x5a: {  	[sflag:s29] =	ssyncset.done $0x0  }
0x5b: {  	s0 =	sadd.s32 $0x800, s31;
	[sflag:s29] =	ssyncadd.s32 $0xFFFFC000  }
0x5c: {  	[hbm4b:s0+s3] =	stream.linear.scatter [tilespmem:s20], [sflag:$0x6], $0x4000, $0x38;
	[tilespmem:$0x10400] =	vst v63  }
0x5d: {  	s0 =	simm.s32 @!p0 $0x7  }
0x5e: {  	_ =	swait.ge @!p0 [sflag:s0], $0x4000  }
0x5f: {  	[sflag:s0] =	ssyncset.done @!p0 $0x0  }
0x60: {  	[sflag:s0] =	ssyncadd.s32 @!p0 $0xFFFFC000  }
0x61: {  	v3 =	vld [tilespmem:s26+$0x0];
	_ =	sdelay $0x4  }
0x62: {  	v62 =	vshll.u32 v3, $0x3  }
0x63: {  	v3 =	vand.u32 $0x7, v3;
	v4 =	vand.u32 $0xFFFFFFC0, v62  }
0x64: {  	v3 =	vor.u32 v3, v4  }
0x65: {  	v4 =	vperm.xlane v3, v0;
	_ =	sdelay $0x1  }
0x66: {  	v4 =	vadd.s32 v1, v4;
	_ =	sdelay $0x4  }
0x67: {  	[tilespmem:s30], [sflag:$0x3] =	stream.indirect_vreg.gather [hbm4b:s2+s3], $0x80, v4, vm0, $0xb8;
	[tilespmem:$0x10400] =	vst v63  }
0x68: {  	s0 =	simm.s32 $0x8C00;
	v3 =	vperm.xlane v3, v2  }
0x69: {  	[tilespmem:s0], [sflag:$0x3] =	stream.indirect_vreg.gather [hbm4b:s5+s3], $0x80, v4, vm0, $0xb8;
	[tilespmem:$0x10400] =	vst v63  }
0x6a: {  	v3 =	vadd.s32 v1, v3;
	s0 =	simm.s32 $0x9400  }
0x6b: {  	[tilespmem:s0], [sflag:$0x3] =	stream.indirect_vreg.gather [hbm4b:s6+s3], $0x80, v4, vm0, $0xb8;
	[tilespmem:$0x10400] =	vst v63  }
0x6c: {  	_ = 	snop  }
0x6d: {  	[tilespmem:s1], [sflag:$0x3] =	stream.indirect_vreg.gather [hbm4b:s7+s3], $0x80, v4, vm0, $0xb8;
	[tilespmem:$0x10400] =	vst v63  }
0x6e: {  	_ = 	snop  }
0x6f: {  	[tilespmem:s4], [sflag:$0x3] =	stream.indirect_vreg.gather [hbm4b:s2+s3], $0x80, v3, vm0, $0xb8;
	[tilespmem:$0x10400] =	vst v63  }
0x70: {  	_ = 	snop  }
0x71: {  	[tilespmem:s8], [sflag:$0x3] =	stream.indirect_vreg.gather [hbm4b:s5+s3], $0x80, v3, vm0, $0xb8;
	[tilespmem:$0x10400] =	vst v63  }
0x72: {  	_ = 	snop  }
0x73: {  	[tilespmem:s10], [sflag:$0x3] =	stream.indirect_vreg.gather [hbm4b:s6+s3], $0x80, v3, vm0, $0xb8;
	[tilespmem:$0x10400] =	vst v63  }
0x74: {  	_ = 	snop  }
0x75: {  	[tilespmem:s12], [sflag:$0x3] =	stream.indirect_vreg.gather [hbm4b:s7+s3], $0x80, v3, vm0, $0xb8;
	[tilespmem:$0x10400] =	vst v63  }
0x76: {  	_ =	swait.ge [sflag:s13], $0x4000  }
0x77: {  	[sflag:s13] =	ssyncset.done $0x0  }
0x78: {  	s0 =	sadd.s32 $0x1000, s31;
	[sflag:s13] =	ssyncadd.s32 $0xFFFFC000  }
0x79: {  	[hbm4b:s0+s3] =	stream.linear.scatter [tilespmem:s30], [sflag:$0x7], $0x4000, $0x38;
	[tilespmem:$0x10400] =	vst v63  }
0x7a: {  	s0 =	simm.s32 @!p0 $0x8  }
0x7b: {  	_ =	swait.ge @!p0 [sflag:s0], $0x4000  }
0x7c: {  	[sflag:s0] =	ssyncset.done @!p0 $0x0  }
0x7d: {  	[sflag:s0] =	ssyncadd.s32 @!p0 $0xFFFFC000  }
0x7e: {  	v3 =	vld [tilespmem:s26+$0x10];
	_ =	sdelay $0x4  }
0x7f: {  	v63 =	vshll.u32 v3, $0x3  }
0x80: {  	v3 =	vand.u32 $0x7, v3;
	v4 =	vand.u32 $0xFFFFFFC0, v63  }
0x81: {  	v3 =	vor.u32 v3, v4  }
0x82: {  	v4 =	vperm.xlane v3, v0;
	_ =	sdelay $0x1  }
0x83: {  	v4 =	vadd.s32 v1, v4;
	_ =	sdelay $0x4  }
0x84: {  	[tilespmem:s14], [sflag:$0x4] =	stream.indirect_vreg.gather [hbm4b:s2+s3], $0x80, v4, vm0, $0xb8;
	[tilespmem:$0x10400] =	vst v63  }
0x85: {  	v3 =	vperm.xlane v3, v2  }
0x86: {  	[tilespmem:s15], [sflag:$0x4] =	stream.indirect_vreg.gather [hbm4b:s5+s3], $0x80, v4, vm0, $0xb8;
	[tilespmem:$0x10400] =	vst v63  }
0x87: {  	v3 =	vadd.s32 v1, v3  }
0x88: {  	[tilespmem:s16], [sflag:$0x4] =	stream.indirect_vreg.gather [hbm4b:s6+s3], $0x80, v4, vm0, $0xb8;
	[tilespmem:$0x10400] =	vst v63  }
0x89: {  	_ = 	snop  }
0x8a: {  	[tilespmem:s17], [sflag:$0x4] =	stream.indirect_vreg.gather [hbm4b:s7+s3], $0x80, v4, vm0, $0xb8;
	[tilespmem:$0x10400] =	vst v63  }
0x8b: {  	_ = 	snop  }
0x8c: {  	[tilespmem:s18], [sflag:$0x4] =	stream.indirect_vreg.gather [hbm4b:s2+s3], $0x80, v3, vm0, $0xb8;
	[tilespmem:$0x10400] =	vst v63  }
0x8d: {  	_ = 	snop  }
0x8e: {  	[tilespmem:s21], [sflag:$0x4] =	stream.indirect_vreg.gather [hbm4b:s5+s3], $0x80, v3, vm0, $0xb8;
	[tilespmem:$0x10400] =	vst v63  }
0x8f: {  	_ = 	snop  }
0x90: {  	[tilespmem:s22], [sflag:$0x4] =	stream.indirect_vreg.gather [hbm4b:s6+s3], $0x80, v3, vm0, $0xb8;
	[tilespmem:$0x10400] =	vst v63  }
0x91: {  	_ = 	snop  }
0x92: {  	[tilespmem:s23], [sflag:$0x4] =	stream.indirect_vreg.gather [hbm4b:s7+s3], $0x80, v3, vm0, $0xb8;
	[tilespmem:$0x10400] =	vst v63  }
0x93: {  	_ =	swait.ge [sflag:s24], $0x4000  }
0x94: {  	p0 =	seq.s32 s28, $0x1E000;
	[sflag:s24] =	ssyncset.done $0x0  }
.Ltmp2:
0x95: {  	s31 =	sadd.s32 $0x1800, s31;
	[sflag:s24] =	ssyncadd.s32 $0xFFFFC000;
	(pc) =	sbr.rel @p0 .LBB2_4-.Ltmp2, $4  }
0x96: {  	[hbm4b:s31+s3] =	stream.linear.scatter [tilespmem:s14], [sflag:$0x8], $0x4000, $0x38;
	[tilespmem:$0x10400] =	vst v63  }
0x97: {  	_ =	swait.ge [sflag:s25], $0x4000  }
0x98: {  	[sflag:s25] =	ssyncset.done $0x0  }
0x99: {  	[sflag:s25] =	ssyncadd.s32 $0xFFFFC000  }
0x9a: {  	v3 =	vld [tilespmem:s26+$0x20];
	_ =	sdelay $0x4  }
0x9b: {  	v4 =	vshll.u32 v3, $0x3  }
0x9c: {  	v3 =	vand.u32 $0x7, v3;
	v4 =	vand.u32 $0xFFFFFFC0, v4  }
0x9d: {  	v3 =	vor.u32 v3, v4  }
0x9e: {  	v4 =	vperm.xlane v3, v0;
	_ =	sdelay $0x1  }
0x9f: {  	v4 =	vadd.s32 v1, v4;
	_ =	sdelay $0x4  }
0xa0: {  	[tilespmem:s11], [sflag:$0x1] =	stream.indirect_vreg.gather [hbm4b:s2+s3], $0x80, v4, vm0, $0xb8;
	[tilespmem:$0x10400] =	vst v63  }
0xa1: {  	s0 =	simm.s32 $0xC00;
	v3 =	vperm.xlane v3, v2  }
0xa2: {  	[tilespmem:s0], [sflag:$0x1] =	stream.indirect_vreg.gather [hbm4b:s5+s3], $0x80, v4, vm0, $0xb8;
	[tilespmem:$0x10400] =	vst v63  }
0xa3: {  	s31 =	simm.s32 $0x1400;
	v3 =	vadd.s32 v1, v3  }
0xa4: {  	[tilespmem:s31], [sflag:$0x1] =	stream.indirect_vreg.gather [hbm4b:s6+s3], $0x80, v4, vm0, $0xb8;
	[tilespmem:$0x10400] =	vst v63  }
0xa5: {  	s31 =	simm.s32 $0x1C00  }
0xa6: {  	[tilespmem:s31], [sflag:$0x1] =	stream.indirect_vreg.gather [hbm4b:s7+s3], $0x80, v4, vm0, $0xb8;
	[tilespmem:$0x10400] =	vst v63  }
0xa7: {  	s31 =	simm.s32 $0x2400  }
0xa8: {  	[tilespmem:s31], [sflag:$0x1] =	stream.indirect_vreg.gather [hbm4b:s2+s3], $0x80, v3, vm0, $0xb8;
	[tilespmem:$0x10400] =	vst v63  }
0xa9: {  	s31 =	simm.s32 $0x2C00  }
0xaa: {  	[tilespmem:s31], [sflag:$0x1] =	stream.indirect_vreg.gather [hbm4b:s5+s3], $0x80, v3, vm0, $0xb8;
	[tilespmem:$0x10400] =	vst v63  }
.Ltmp3:
0xab: {  	_ = 	snop;
	(pc) =	sbr.rel .LBB2_2-.Ltmp3, $4  }
0xac: {  	s31 =	simm.s32 $0x3400  }
0xad: {  	[tilespmem:s31], [sflag:$0x1] =	stream.indirect_vreg.gather [hbm4b:s6+s3], $0x80, v3, vm0, $0xb8;
	[tilespmem:$0x10400] =	vst v63  }
0xae: {  	s28 =	sadd.s32 $0x2000, s28;
	s26 =	sadd.s32 $0x40, s26;
	s31 =	simm.s32 $0x3C00  }
0xaf: {  	[tilespmem:s31], [sflag:$0x1] =	stream.indirect_vreg.gather [hbm4b:s7+s3], $0x80, v3, vm0, $0xb8;
	[tilespmem:$0x10400] =	vst v63  }
.LBB2_5:
0xb0: {  	_ =	sfence.sel $0x180000  }
0xb1: {  	[bflag:$0x0] =	sbarrier.arrive $0xFFFF  }
0xb2: {  	_ =	strace $0x90000047  }
0xb3: {  	s0 =	stileid.u32;
	[bflag:$0x2] =	sbarrier.arrive $0xFFFF  }
0xb4: {  	p0 =	sne.s32 s0, $0x0;
	s0 =	rddreg [dreg:$0x3]  }
0xb5: {  	s0 =	sadd.s32 @!p0 $0x100000, s0  }
0xb6: {  	[sflag:s0] =	ssyncadd.tile.s32 @!p0 $0x1;
	_ =	shalt  }
.Lfunc_end2:
_tile_overlayer_lowered:
.L_overlay_start_2:
0xb7: {  	(tag) =	ssettag $0x2  }
0xb8: {  	s0 =	rddreg [dreg:$0x0];
	s2 =	stileid.u32  }
0xb9: {  	s1 =	rddreg [dreg:$0x1];
	p0 =	sne.s32 s2, $0x0  }
0xba: {  	s3 =	rddreg [dreg:$0x2];
	[bflag:$0x3] =	sbarrier.arrive $0xFFFF;
	s2 =	simm.s32 @!p0 $0x1C09  }
0xbb: {  	[timem:s3], [sflag:s2] =	dma.local @!p0 [hbm:s0], s1  }
0xbc: {  	s0 =	simm.s32 @!p0 $0x9  }
0xbd: {  	_ =	swait.ge @!p0 [sflag:s0], s1  }
0xbe: {  	s1 =	ssub.s32 @!p0 $0x0, s1;
	[sflag:s0] =	ssyncset.done @!p0 $0x0  }
0xbf: {  	[sflag:s0] =	ssyncadd.s32 @!p0 s1  }
0xc0: {  	[bflag:$0x3] =	sbarrier.arrive $0xFFFF  }
0xc1: {  	_ =	shalt  }

</sc_bundles>
